<compile_context>
chip_gen: v7x
topology: tpu7x:2x2x1
jax: 0.10.2.dev20260603
libtpu: 0.0.44.dev20260713+nightly
codegen_flags: <defaults>
</compile_context>

<pallas_src>
import functools

import jax
import jax.numpy as jnp
from jax import lax
from jax.experimental import pallas as pl
from jax.experimental.pallas import tpu as pltpu
from jax.experimental.pallas import tpu_sc as plsc

NC, NS, LANES = 2, 16, 16
NW = NC * NS

BATCH = 1024
SEQ = 200
DIM = 64
LINE = 2 * DIM
VOCAB = 1000000
HALF = SEQ // 2
ROWS_PER_W = BATCH // NW
EPS = 1e-5
NVR = DIM // LANES


def _body(ids_hbm, w_hbm, pos_hbm, g_hbm, b_hbm, out_hbm,
          idx_v, rows_v, pos_v, out_v, g_v, b_v, gsem, osem):
  wid = lax.axis_index("s") * NC + lax.axis_index("c")
  base_b = wid * ROWS_PER_W

  pltpu.sync_copy(ids_hbm.at[pl.ds(base_b, ROWS_PER_W)], idx_v)
  pltpu.sync_copy(pos_hbm, pos_v)
  pltpu.sync_copy(g_hbm, g_v)
  pltpu.sync_copy(b_hbm, b_v)
  g_regs = [g_v[pl.ds(LANES * j, LANES)] for j in range(NVR)]
  b_regs = [b_v[pl.ds(LANES * j, LANES)] for j in range(NVR)]

  lane = lax.iota(jnp.int32, LANES)
  gdn = lax.GatherDimensionNumbers(
      offset_dims=(), collapsed_slice_dims=(0,), start_index_map=(0,))

  def shuffle(x, perm):
    return lax.gather(x, perm[:, None], gdn, (1,),
                      mode=lax.GatherScatterMode.PROMISE_IN_BOUNDS)

  def hsum(x):
    for k in (8, 4, 2, 1):
      x = x + shuffle(x, lane ^ k)
    return x

  def compute(buf):
    @plsc.parallel_loop(0, SEQ, 1, unroll=4)
    def tok_body(t):
      s = [rows_v[buf, t, pl.ds(LANES * j, LANES)]
           + pos_v[t, pl.ds(LANES * j, LANES)] for j in range(NVR)]
      tot = (s[0] + s[1]) + (s[2] + s[3])
      sq = (s[0] * s[0] + s[1] * s[1]) + (s[2] * s[2] + s[3] * s[3])
      mv = hsum(tot) * (1.0 / DIM)
      av = hsum(sq) * (1.0 / DIM) - mv * mv + EPS
      i = lax.bitcast_convert_type(av, jnp.int32)
      y = lax.bitcast_convert_type(jnp.int32(0x5F3759DF) - (i >> 1),
                                   jnp.float32)
      half = av * 0.5
      for _ in range(3):
        y = y * (1.5 - half * y * y)
      for j in range(NVR):
        out_v[t, pl.ds(LANES * j, LANES)] = \
            (s[j] - mv) * y * g_regs[j] + b_regs[j]

  def stage_gather(r, buf):
    for h in (0, 1):
      pltpu.async_copy(w_hbm.at[idx_v.at[r, h]],
                       rows_v.at[buf, pl.ds(h * HALF, HALF)], gsem)

  def wait_gather(buf):
    for h in (0, 1):
      pltpu.make_async_copy(w_hbm.at[idx_v.at[0, h]],
                            rows_v.at[buf, pl.ds(h * HALF, HALF)], gsem).wait()

  def start_out(r):
    pltpu.async_copy(out_v, out_hbm.at[base_b + r], osem)

  def wait_out():
    pltpu.make_async_copy(out_v, out_hbm.at[base_b], osem).wait()

  stage_gather(0, 0)

  def pair_body(i, _):
    stage_gather(2 * i + 1, 1)
    wait_gather(0)
    @pl.when(i > 0)
    def _():
      wait_out()
    compute(0)
    start_out(2 * i)

    @pl.when(i + 1 < ROWS_PER_W // 2)
    def _():
      stage_gather(2 * i + 2, 0)
    wait_gather(1)
    wait_out()
    compute(1)
    start_out(2 * i + 1)
    return 0

  lax.fori_loop(0, ROWS_PER_W // 2, pair_body, 0)
  wait_out()


@functools.partial(
    pl.kernel,
    out_type=jax.ShapeDtypeStruct((BATCH, SEQ, DIM), jnp.float32),
    mesh=plsc.VectorSubcoreMesh(core_axis_name="c", subcore_axis_name="s"),
    scratch_types=[
        pltpu.VMEM((ROWS_PER_W, 2, HALF), jnp.int32),
        pltpu.VMEM((2, SEQ, LINE), jnp.float32),
        pltpu.VMEM((SEQ, DIM), jnp.float32),
        pltpu.VMEM((SEQ, DIM), jnp.float32),
        pltpu.VMEM((DIM,), jnp.float32),
        pltpu.VMEM((DIM,), jnp.float32),
        pltpu.SemaphoreType.DMA,
        pltpu.SemaphoreType.DMA,
    ],
)
def _sc_embed(ids_hbm, w_hbm, pos_hbm, g_hbm, b_hbm, out_hbm,
              idx_v, rows_v, pos_v, out_v, g_v, b_v, gsem, osem):
  _body(ids_hbm, w_hbm, pos_hbm, g_hbm, b_hbm, out_hbm,
        idx_v, rows_v, pos_v, out_v, g_v, b_v, gsem, osem)


@jax.jit
def kernel(input_ids, W_word, pos_table, ln_gamma, ln_beta):
  ids = input_ids.reshape(BATCH, 2, HALF).astype(jnp.int32)
  w128 = jnp.pad(W_word, ((0, 0), (0, LINE - DIM)))
  pos_slice = pos_table[:SEQ]
  return _sc_embed(ids, w128, pos_slice, ln_gamma, ln_beta)

# --- scband reference (transcript-rebuilt; emitter-appended) ---
"""Pipeline reference for scband-embedding-layer-17824114278884 (READ-ONLY COPY).

The authoritative reference and input builder live on the scoring server;
editing this copy changes nothing except your own understanding.
"""

import jax, jax.numpy as jnp
import numpy as np

VOCAB = 1000000
EMBED_DIM = 64
MAX_LEN = 512
BATCH = 1024
SEQ_LEN = 200
LN_EPS = 1e-5


def get_sinusoid_encoding_table(n_position, d_hid, padding_idx=0):
    position = np.arange(n_position)[:, None].astype(np.float64)
    div_i = np.arange(d_hid)
    angle = position / np.power(10000.0, 2 * (div_i // 2) / d_hid)
    table = np.zeros((n_position, d_hid), dtype=np.float64)
    table[:, 0::2] = np.sin(angle[:, 0::2])
    table[:, 1::2] = np.cos(angle[:, 1::2])
    if padding_idx is not None:
        table[padding_idx] = 0.0
    return jnp.asarray(table, dtype=jnp.float32)


def setup_inputs(seed: int = 0) -> dict:
    key = jax.random.key(seed)
    k_idx, k_w = jax.random.split(key)
    input_ids = jax.random.randint(k_idx, (BATCH, SEQ_LEN), 0, VOCAB, dtype=jnp.int64 if jax.config.jax_enable_x64 else jnp.int32)
    W_word = jax.random.normal(k_w, (VOCAB, EMBED_DIM), dtype=jnp.float32) * 0.02
    pos_table = get_sinusoid_encoding_table(MAX_LEN, EMBED_DIM, padding_idx=0)
    ln_gamma = jnp.ones((EMBED_DIM,), dtype=jnp.float32)
    ln_beta = jnp.zeros((EMBED_DIM,), dtype=jnp.float32)
    return {"input_ids": input_ids, "W_word": W_word, "pos_table": pos_table, "ln_gamma": ln_gamma, "ln_beta": ln_beta}


def layer_norm(x, gamma, beta, eps=LN_EPS):
    mean = jnp.mean(x, axis=-1, keepdims=True)
    var = jnp.mean(jnp.square(x - mean), axis=-1, keepdims=True)
    return (x - mean) / jnp.sqrt(var + eps) * gamma + beta


def reference(input_ids, W_word, pos_table, ln_gamma, ln_beta):
    # word embedding lookup (gather)
    input_embeds = jnp.take(W_word, input_ids, axis=0)
    # position ids: arange(seq_len) broadcast to input shape
    seq_length = input_ids.shape[1]
    position_ids = jnp.broadcast_to(jnp.arange(seq_length, dtype=input_ids.dtype)[None, :], input_ids.shape)
    position_embeddings = jnp.take(pos_table, position_ids, axis=0)
    embeddings = input_embeds + position_embeddings
    embeddings = layer_norm(embeddings, ln_gamma, ln_beta)
    # dropout is identity in eval mode
    return embeddings

if __name__ == "__main__":
    import jax
    _d = setup_inputs()
    print(jax.jit(kernel)(*tuple(_d.values())))

</pallas_src>

<mosaic_0001>
#map = affine_map<(d0, d1) -> (0, 0, 0)>
#map1 = affine_map<(d0, d1) -> (0, 0)>
#map2 = affine_map<(d0, d1) -> (0)>
module attributes {stable_mosaic.version = 14 : i64} {
  func.func @_sc_embed(%arg0: i32, %arg1: i32, %arg2: memref<1024x2x100xi32, #tpu.memory_space<hbm>>, %arg3: memref<1000000x128xf32, #tpu.memory_space<hbm>>, %arg4: memref<200x64xf32, #tpu.memory_space<hbm>>, %arg5: memref<64xf32, #tpu.memory_space<hbm>>, %arg6: memref<64xf32, #tpu.memory_space<hbm>>, %arg7: memref<1024x200x64xf32, #tpu.memory_space<hbm>>, %arg8: memref<32x2x100xi32, #tpu.memory_space<vmem>>, %arg9: memref<2x200x128xf32, #tpu.memory_space<vmem>>, %arg10: memref<200x64xf32, #tpu.memory_space<vmem>>, %arg11: memref<200x64xf32, #tpu.memory_space<vmem>>, %arg12: memref<64xf32, #tpu.memory_space<vmem>>, %arg13: memref<64xf32, #tpu.memory_space<vmem>>, %arg14: memref<!tpu.dma_semaphore, #tpu.memory_space<semaphore_mem>>, %arg15: memref<!tpu.dma_semaphore, #tpu.memory_space<semaphore_mem>>) attributes {dimension_semantics = [#tpu.dimension_semantics<core_parallel>, #tpu.dimension_semantics<subcore_parallel>], iteration_bounds = array<i64: 2, 16>, scalar_prefetch = 0 : i64, scratch_operands = 8 : i64, tpu.core_type = #tpu.core_type<sc_vector_subcore>, window_params = [{transform_indices = #map}, {transform_indices = #map1}, {transform_indices = #map1}, {transform_indices = #map2}, {transform_indices = #map2}, {transform_indices = #map}]} {
    %mul3A = arith.constant 2 : i32
    %mul3A_0 = arith.muli %arg1, %mul3A : i32
    %add3A = arith.addi %mul3A_0, %arg0 : i32
    %mul3A_1 = arith.constant 32 : i32
    %mul3A_2 = arith.muli %add3A, %mul3A_1 : i32
    "tpu.region"() ({
      %run_scoped3A = tpu.sem_alloc : memref<!tpu.dma_semaphore, #tpu.memory_space<semaphore_mem>>
      %dma_start3A_64 = arith.constant 0 : i32
      %dma_start3A_65 = arith.constant 0 : i32
      %dma_start3A_66 = tpu.memref_slice %arg2[%mul3A_2, %dma_start3A_64, %dma_start3A_65] : memref<1024x2x100xi32, #tpu.memory_space<hbm>> -> memref<32x2x100xi32, #tpu.memory_space<hbm>>
      %dma_start3A_67 = arith.constant 0 : i32
      %dma_start3A_68 = arith.constant 0 : i32
      %dma_start3A_69 = tpu.memref_slice %arg2[%mul3A_2, %dma_start3A_67, %dma_start3A_68] : memref<1024x2x100xi32, #tpu.memory_space<hbm>> -> memref<32x2x100xi32, #tpu.memory_space<hbm>>
      tpu.enqueue_dma source(%dma_start3A_69 : memref<32x2x100xi32, #tpu.memory_space<hbm>>) target(%arg8 : memref<32x2x100xi32, #tpu.memory_space<vmem>>) target_semaphore(%run_scoped3A : memref<!tpu.dma_semaphore, #tpu.memory_space<semaphore_mem>>)
      %dma_wait3A_70 = arith.constant 0 : i32
      %dma_wait3A_71 = arith.constant 0 : i32
      %dma_wait3A_72 = tpu.memref_slice %arg2[%mul3A_2, %dma_wait3A_70, %dma_wait3A_71] : memref<1024x2x100xi32, #tpu.memory_space<hbm>> -> memref<32x2x100xi32, #tpu.memory_space<hbm>>
      %dma_wait3A_73 = arith.constant 0 : i32
      %dma_wait3A_74 = arith.constant 0 : i32
      %dma_wait3A_75 = tpu.memref_slice %arg2[%mul3A_2, %dma_wait3A_73, %dma_wait3A_74] : memref<1024x2x100xi32, #tpu.memory_space<hbm>> -> memref<32x2x100xi32, #tpu.memory_space<hbm>>
      tpu.wait_dma2 semaphore(%run_scoped3A : memref<!tpu.dma_semaphore, #tpu.memory_space<semaphore_mem>>) src(%dma_wait3A_75 : memref<32x2x100xi32, #tpu.memory_space<hbm>>) dst(%arg8 : memref<32x2x100xi32, #tpu.memory_space<vmem>>)
      tpu.yield
    }) : () -> ()
    "tpu.region"() ({
      %run_scoped3A = tpu.sem_alloc : memref<!tpu.dma_semaphore, #tpu.memory_space<semaphore_mem>>
      tpu.enqueue_dma source(%arg4 : memref<200x64xf32, #tpu.memory_space<hbm>>) target(%arg10 : memref<200x64xf32, #tpu.memory_space<vmem>>) target_semaphore(%run_scoped3A : memref<!tpu.dma_semaphore, #tpu.memory_space<semaphore_mem>>)
      tpu.wait_dma2 semaphore(%run_scoped3A : memref<!tpu.dma_semaphore, #tpu.memory_space<semaphore_mem>>) src(%arg4 : memref<200x64xf32, #tpu.memory_space<hbm>>) dst(%arg10 : memref<200x64xf32, #tpu.memory_space<vmem>>)
      tpu.yield
    }) : () -> ()
    "tpu.region"() ({
      %run_scoped3A = tpu.sem_alloc : memref<!tpu.dma_semaphore, #tpu.memory_space<semaphore_mem>>
      tpu.enqueue_dma source(%arg5 : memref<64xf32, #tpu.memory_space<hbm>>) target(%arg12 : memref<64xf32, #tpu.memory_space<vmem>>) target_semaphore(%run_scoped3A : memref<!tpu.dma_semaphore, #tpu.memory_space<semaphore_mem>>)
      tpu.wait_dma2 semaphore(%run_scoped3A : memref<!tpu.dma_semaphore, #tpu.memory_space<semaphore_mem>>) src(%arg5 : memref<64xf32, #tpu.memory_space<hbm>>) dst(%arg12 : memref<64xf32, #tpu.memory_space<vmem>>)
      tpu.yield
    }) : () -> ()
    "tpu.region"() ({
      %run_scoped3A = tpu.sem_alloc : memref<!tpu.dma_semaphore, #tpu.memory_space<semaphore_mem>>
      tpu.enqueue_dma source(%arg6 : memref<64xf32, #tpu.memory_space<hbm>>) target(%arg13 : memref<64xf32, #tpu.memory_space<vmem>>) target_semaphore(%run_scoped3A : memref<!tpu.dma_semaphore, #tpu.memory_space<semaphore_mem>>)
      tpu.wait_dma2 semaphore(%run_scoped3A : memref<!tpu.dma_semaphore, #tpu.memory_space<semaphore_mem>>) src(%arg6 : memref<64xf32, #tpu.memory_space<hbm>>) dst(%arg13 : memref<64xf32, #tpu.memory_space<vmem>>)
      tpu.yield
    }) : () -> ()
    %get3A = arith.constant 0 : index
    %get3A_3 = tpu.vector_load %arg12[%get3A] {strides = array<i32>} : memref<64xf32, #tpu.memory_space<vmem>>, vector<16xf32>,
    %get3A_4 = vector.shape_cast %get3A_3 : vector<16xf32> to vector<16xf32>
    %get3A_5 = arith.constant 16 : index
    %get3A_6 = tpu.vector_load %arg12[%get3A_5] {strides = array<i32>} : memref<64xf32, #tpu.memory_space<vmem>>, vector<16xf32>,
    %get3A_7 = vector.shape_cast %get3A_6 : vector<16xf32> to vector<16xf32>
    %get3A_8 = arith.constant 32 : index
    %get3A_9 = tpu.vector_load %arg12[%get3A_8] {strides = array<i32>} : memref<64xf32, #tpu.memory_space<vmem>>, vector<16xf32>,
    %get3A_10 = vector.shape_cast %get3A_9 : vector<16xf32> to vector<16xf32>
    %get3A_11 = arith.constant 48 : index
    %get3A_12 = tpu.vector_load %arg12[%get3A_11] {strides = array<i32>} : memref<64xf32, #tpu.memory_space<vmem>>, vector<16xf32>,
    %get3A_13 = vector.shape_cast %get3A_12 : vector<16xf32> to vector<16xf32>
    %get3A_14 = arith.constant 0 : index
    %get3A_15 = tpu.vector_load %arg13[%get3A_14] {strides = array<i32>} : memref<64xf32, #tpu.memory_space<vmem>>, vector<16xf32>,
    %get3A_16 = vector.shape_cast %get3A_15 : vector<16xf32> to vector<16xf32>
    %get3A_17 = arith.constant 16 : index
    %get3A_18 = tpu.vector_load %arg13[%get3A_17] {strides = array<i32>} : memref<64xf32, #tpu.memory_space<vmem>>, vector<16xf32>,
    %get3A_19 = vector.shape_cast %get3A_18 : vector<16xf32> to vector<16xf32>
    %get3A_20 = arith.constant 32 : index
    %get3A_21 = tpu.vector_load %arg13[%get3A_20] {strides = array<i32>} : memref<64xf32, #tpu.memory_space<vmem>>, vector<16xf32>,
    %get3A_22 = vector.shape_cast %get3A_21 : vector<16xf32> to vector<16xf32>
    %get3A_23 = arith.constant 48 : index
    %get3A_24 = tpu.vector_load %arg13[%get3A_23] {strides = array<i32>} : memref<64xf32, #tpu.memory_space<vmem>>, vector<16xf32>,
    %get3A_25 = vector.shape_cast %get3A_24 : vector<16xf32> to vector<16xf32>
    %iota3A = tpu.iota {dimensions = array<i32: 0>} : vector<16xi32>
    %dma_start3A = arith.constant 0 : i32
    %dma_start3A_26 = arith.constant 0 : i32
    %dma_start3A_27 = arith.constant 0 : i32
    %dma_start3A_28 = arith.constant 0 : i32
    %dma_start3A_29 = arith.constant 0 : i32
    %dma_start3A_30 = tpu.memref_slice %arg9[%dma_start3A_27, %dma_start3A_28, %dma_start3A_29] : memref<2x200x128xf32, #tpu.memory_space<vmem>> -> memref<1x100x128xf32, #tpu.memory_space<vmem>>
    %dma_start3A_31 = tpu.memref_squeeze %dma_start3A_30 : memref<1x100x128xf32, #tpu.memory_space<vmem>> -> memref<100x128xf32, #tpu.memory_space<vmem>>
    %dma_start3A_32 = arith.constant 0 : i32
    %dma_start3A_33 = tpu.memref_slice %arg8[%dma_start3A, %dma_start3A_26, %dma_start3A_32] : memref<32x2x100xi32, #tpu.memory_space<vmem>> -> memref<1x1x100xi32, #tpu.memory_space<vmem>>
    %dma_start3A_34 = tpu.memref_squeeze %dma_start3A_33 : memref<1x1x100xi32, #tpu.memory_space<vmem>> -> memref<100xi32, #tpu.memory_space<vmem>>
    %dma_start3A_35 = arith.constant 0 : i32
    %dma_start3A_36 = arith.constant 0 : i32
    %dma_start3A_37 = tpu.memref_slice %arg3[%dma_start3A_35, %dma_start3A_36] : memref<1000000x128xf32, #tpu.memory_space<hbm>> -> memref<1000000x128xf32, #tpu.memory_space<hbm>>
    tpu.enqueue_indirect_dma source(%dma_start3A_37 : memref<1000000x128xf32, #tpu.memory_space<hbm>>) target(%dma_start3A_31 : memref<100x128xf32, #tpu.memory_space<vmem>>) offsets(%dma_start3A_34 : memref<100xi32, #tpu.memory_space<vmem>>) semaphore(%arg14 : memref<!tpu.dma_semaphore, #tpu.memory_space<semaphore_mem>>)
    %dma_start3A_38 = arith.constant 0 : i32
    %dma_start3A_39 = arith.constant 1 : i32
    %dma_start3A_40 = arith.constant 0 : i32
    %dma_start3A_41 = arith.constant 100 : i32
    %dma_start3A_42 = arith.constant 0 : i32
    %dma_start3A_43 = tpu.memref_slice %arg9[%dma_start3A_40, %dma_start3A_41, %dma_start3A_42] : memref<2x200x128xf32, #tpu.memory_space<vmem>> -> memref<1x100x128xf32, #tpu.memory_space<vmem>>
    %dma_start3A_44 = tpu.memref_squeeze %dma_start3A_43 : memref<1x100x128xf32, #tpu.memory_space<vmem>> -> memref<100x128xf32, #tpu.memory_space<vmem>>
    %dma_start3A_45 = arith.constant 0 : i32
    %dma_start3A_46 = tpu.memref_slice %arg8[%dma_start3A_38, %dma_start3A_39, %dma_start3A_45] : memref<32x2x100xi32, #tpu.memory_space<vmem>> -> memref<1x1x100xi32, #tpu.memory_space<vmem>>
    %dma_start3A_47 = tpu.memref_squeeze %dma_start3A_46 : memref<1x1x100xi32, #tpu.memory_space<vmem>> -> memref<100xi32, #tpu.memory_space<vmem>>
    %dma_start3A_48 = arith.constant 0 : i32
    %dma_start3A_49 = arith.constant 0 : i32
    %dma_start3A_50 = tpu.memref_slice %arg3[%dma_start3A_48, %dma_start3A_49] : memref<1000000x128xf32, #tpu.memory_space<hbm>> -> memref<1000000x128xf32, #tpu.memory_space<hbm>>
    tpu.enqueue_indirect_dma source(%dma_start3A_50 : memref<1000000x128xf32, #tpu.memory_space<hbm>>) target(%dma_start3A_44 : memref<100x128xf32, #tpu.memory_space<vmem>>) offsets(%dma_start3A_47 : memref<100xi32, #tpu.memory_space<vmem>>) semaphore(%arg14 : memref<!tpu.dma_semaphore, #tpu.memory_space<semaphore_mem>>)
    %scan3A = arith.constant 0 : i32
    %scan3A_51 = arith.constant 0 : i32
    %scan3A_52 = arith.constant 16 : i32
    %scan3A_53 = arith.addi %scan3A_51, %scan3A_52 : i32
    %scan3A_54 = arith.constant 1 : i32
    %scan3A_55 = scf.for %scan3A_64 = %scan3A_51 to %scan3A_53 step %scan3A_54 iter_args(%scan3A_65 = %scan3A) -> (i32)  : i32 {
      %mul3A_66 = arith.constant 2 : i32
      %mul3A_67 = arith.muli %mul3A_66, %scan3A_64 : i32
      %add3A_68 = arith.constant 1 : i32
      %add3A_69 = arith.addi %mul3A_67, %add3A_68 : i32
      %dma_start3A_70 = arith.constant 0 : i32
      %dma_start3A_71 = arith.constant 1 : i32
      %dma_start3A_72 = arith.constant 0 : i32
      %dma_start3A_73 = arith.constant 0 : i32
      %dma_start3A_74 = tpu.memref_slice %arg9[%dma_start3A_71, %dma_start3A_72, %dma_start3A_73] : memref<2x200x128xf32, #tpu.memory_space<vmem>> -> memref<1x100x128xf32, #tpu.memory_space<vmem>>
      %dma_start3A_75 = tpu.memref_squeeze %dma_start3A_74 : memref<1x100x128xf32, #tpu.memory_space<vmem>> -> memref<100x128xf32, #tpu.memory_space<vmem>>
      %dma_start3A_76 = arith.constant 0 : i32
      %dma_start3A_77 = tpu.memref_slice %arg8[%add3A_69, %dma_start3A_70, %dma_start3A_76] : memref<32x2x100xi32, #tpu.memory_space<vmem>> -> memref<1x1x100xi32, #tpu.memory_space<vmem>>
      %dma_start3A_78 = tpu.memref_squeeze %dma_start3A_77 : memref<1x1x100xi32, #tpu.memory_space<vmem>> -> memref<100xi32, #tpu.memory_space<vmem>>
      %dma_start3A_79 = arith.constant 0 : i32
      %dma_start3A_80 = arith.constant 0 : i32
      %dma_start3A_81 = tpu.memref_slice %arg3[%dma_start3A_79, %dma_start3A_80] : memref<1000000x128xf32, #tpu.memory_space<hbm>> -> memref<1000000x128xf32, #tpu.memory_space<hbm>>
      tpu.enqueue_indirect_dma source(%dma_start3A_81 : memref<1000000x128xf32, #tpu.memory_space<hbm>>) target(%dma_start3A_75 : memref<100x128xf32, #tpu.memory_space<vmem>>) offsets(%dma_start3A_78 : memref<100xi32, #tpu.memory_space<vmem>>) semaphore(%arg14 : memref<!tpu.dma_semaphore, #tpu.memory_space<semaphore_mem>>)
      %dma_start3A_82 = arith.constant 1 : i32
      %dma_start3A_83 = arith.constant 1 : i32
      %dma_start3A_84 = arith.constant 100 : i32
      %dma_start3A_85 = arith.constant 0 : i32
      %dma_start3A_86 = tpu.memref_slice %arg9[%dma_start3A_83, %dma_start3A_84, %dma_start3A_85] : memref<2x200x128xf32, #tpu.memory_space<vmem>> -> memref<1x100x128xf32, #tpu.memory_space<vmem>>
      %dma_start3A_87 = tpu.memref_squeeze %dma_start3A_86 : memref<1x100x128xf32, #tpu.memory_space<vmem>> -> memref<100x128xf32, #tpu.memory_space<vmem>>
      %dma_start3A_88 = arith.constant 0 : i32
      %dma_start3A_89 = tpu.memref_slice %arg8[%add3A_69, %dma_start3A_82, %dma_start3A_88] : memref<32x2x100xi32, #tpu.memory_space<vmem>> -> memref<1x1x100xi32, #tpu.memory_space<vmem>>
      %dma_start3A_90 = tpu.memref_squeeze %dma_start3A_89 : memref<1x1x100xi32, #tpu.memory_space<vmem>> -> memref<100xi32, #tpu.memory_space<vmem>>
      %dma_start3A_91 = arith.constant 0 : i32
      %dma_start3A_92 = arith.constant 0 : i32
      %dma_start3A_93 = tpu.memref_slice %arg3[%dma_start3A_91, %dma_start3A_92] : memref<1000000x128xf32, #tpu.memory_space<hbm>> -> memref<1000000x128xf32, #tpu.memory_space<hbm>>
      tpu.enqueue_indirect_dma source(%dma_start3A_93 : memref<1000000x128xf32, #tpu.memory_space<hbm>>) target(%dma_start3A_87 : memref<100x128xf32, #tpu.memory_space<vmem>>) offsets(%dma_start3A_90 : memref<100xi32, #tpu.memory_space<vmem>>) semaphore(%arg14 : memref<!tpu.dma_semaphore, #tpu.memory_space<semaphore_mem>>)
      %dma_wait3A_94 = arith.constant 0 : i32
      %dma_wait3A_95 = arith.constant 0 : i32
      %dma_wait3A_96 = arith.constant 0 : i32
      %dma_wait3A_97 = arith.constant 0 : i32
      %dma_wait3A_98 = arith.constant 0 : i32
      %dma_wait3A_99 = tpu.memref_slice %arg9[%dma_wait3A_96, %dma_wait3A_97, %dma_wait3A_98] : memref<2x200x128xf32, #tpu.memory_space<vmem>> -> memref<1x100x128xf32, #tpu.memory_space<vmem>>
      %dma_wait3A_100 = tpu.memref_squeeze %dma_wait3A_99 : memref<1x100x128xf32, #tpu.memory_space<vmem>> -> memref<100x128xf32, #tpu.memory_space<vmem>>
      %dma_wait3A_101 = arith.constant 0 : i32
      %dma_wait3A_102 = tpu.memref_slice %arg8[%dma_wait3A_94, %dma_wait3A_95, %dma_wait3A_101] : memref<32x2x100xi32, #tpu.memory_space<vmem>> -> memref<1x1x100xi32, #tpu.memory_space<vmem>>
      %dma_wait3A_103 = tpu.memref_squeeze %dma_wait3A_102 : memref<1x1x100xi32, #tpu.memory_space<vmem>> -> memref<100xi32, #tpu.memory_space<vmem>>
      %dma_wait3A_104 = arith.constant 0 : i32
      %dma_wait3A_105 = arith.constant 0 : i32
      %dma_wait3A_106 = tpu.memref_slice %arg3[%dma_wait3A_104, %dma_wait3A_105] : memref<1000000x128xf32, #tpu.memory_space<hbm>> -> memref<1000000x128xf32, #tpu.memory_space<hbm>>
      tpu.wait_indirect_dma semaphore(%arg14 : memref<!tpu.dma_semaphore, #tpu.memory_space<semaphore_mem>>) src(%dma_wait3A_106 : memref<1000000x128xf32, #tpu.memory_space<hbm>>) dst(%dma_wait3A_100 : memref<100x128xf32, #tpu.memory_space<vmem>>)
      %dma_wait3A_107 = arith.constant 0 : i32
      %dma_wait3A_108 = arith.constant 1 : i32
      %dma_wait3A_109 = arith.constant 0 : i32
      %dma_wait3A_110 = arith.constant 100 : i32
      %dma_wait3A_111 = arith.constant 0 : i32
      %dma_wait3A_112 = tpu.memref_slice %arg9[%dma_wait3A_109, %dma_wait3A_110, %dma_wait3A_111] : memref<2x200x128xf32, #tpu.memory_space<vmem>> -> memref<1x100x128xf32, #tpu.memory_space<vmem>>
      %dma_wait3A_113 = tpu.memref_squeeze %dma_wait3A_112 : memref<1x100x128xf32, #tpu.memory_space<vmem>> -> memref<100x128xf32, #tpu.memory_space<vmem>>
      %dma_wait3A_114 = arith.constant 0 : i32
      %dma_wait3A_115 = tpu.memref_slice %arg8[%dma_wait3A_107, %dma_wait3A_108, %dma_wait3A_114] : memref<32x2x100xi32, #tpu.memory_space<vmem>> -> memref<1x1x100xi32, #tpu.memory_space<vmem>>
      %dma_wait3A_116 = tpu.memref_squeeze %dma_wait3A_115 : memref<1x1x100xi32, #tpu.memory_space<vmem>> -> memref<100xi32, #tpu.memory_space<vmem>>
      %dma_wait3A_117 = arith.constant 0 : i32
      %dma_wait3A_118 = arith.constant 0 : i32
      %dma_wait3A_119 = tpu.memref_slice %arg3[%dma_wait3A_117, %dma_wait3A_118] : memref<1000000x128xf32, #tpu.memory_space<hbm>> -> memref<1000000x128xf32, #tpu.memory_space<hbm>>
      tpu.wait_indirect_dma semaphore(%arg14 : memref<!tpu.dma_semaphore, #tpu.memory_space<semaphore_mem>>) src(%dma_wait3A_119 : memref<1000000x128xf32, #tpu.memory_space<hbm>>) dst(%dma_wait3A_113 : memref<100x128xf32, #tpu.memory_space<vmem>>)
      %gt3A = arith.constant 0 : i32
      %gt3A_120 = arith.cmpi sgt, %scan3A_64, %gt3A : i32
      %convert_element_type3A = arith.extui %gt3A_120 : i1 to i32
      %cond3A = arith.constant 0 : i32
      %cond3A_121 = arith.cmpi ne, %convert_element_type3A, %cond3A : i32
      scf.if %cond3A_121 {
        %dma_wait3A_192 = arith.constant 0 : i32
        %dma_wait3A_193 = arith.constant 0 : i32
        %dma_wait3A_194 = tpu.memref_slice %arg7[%mul3A_2, %dma_wait3A_192, %dma_wait3A_193] : memref<1024x200x64xf32, #tpu.memory_space<hbm>> -> memref<1x200x64xf32, #tpu.memory_space<hbm>>
        %dma_wait3A_195 = tpu.memref_squeeze %dma_wait3A_194 : memref<1x200x64xf32, #tpu.memory_space<hbm>> -> memref<200x64xf32, #tpu.memory_space<hbm>>
        %dma_wait3A_196 = arith.constant 0 : i32
        %dma_wait3A_197 = arith.constant 0 : i32
        %dma_wait3A_198 = tpu.memref_slice %arg7[%mul3A_2, %dma_wait3A_196, %dma_wait3A_197] : memref<1024x200x64xf32, #tpu.memory_space<hbm>> -> memref<1x200x64xf32, #tpu.memory_space<hbm>>
        %dma_wait3A_199 = tpu.memref_squeeze %dma_wait3A_198 : memref<1x200x64xf32, #tpu.memory_space<hbm>> -> memref<200x64xf32, #tpu.memory_space<hbm>>
        tpu.wait_dma2 semaphore(%arg15 : memref<!tpu.dma_semaphore, #tpu.memory_space<semaphore_mem>>) src(%arg11 : memref<200x64xf32, #tpu.memory_space<vmem>>) dst(%dma_wait3A_199 : memref<200x64xf32, #tpu.memory_space<hbm>>)
      } else {
      }
      %parallel_loop3A = arith.constant 0 : i32
      %parallel_loop3A_122 = arith.constant 200 : i32
      %parallel_loop3A_123 = arith.constant 1 : i32
      scf.for %parallel_loop3A_192 = %parallel_loop3A to %parallel_loop3A_122 step %parallel_loop3A_123  : i32 {
        %parallel_loop3A_193 = arith.constant 0 : i32
        %parallel_loop3A_194 = arith.index_cast %parallel_loop3A_193 : i32 to index
        %parallel_loop3A_195 = arith.index_cast %parallel_loop3A_192 : i32 to index
        %parallel_loop3A_196 = arith.constant 0 : index
        %parallel_loop3A_197 = tpu.vector_load %arg9[%parallel_loop3A_194, %parallel_loop3A_195, %parallel_loop3A_196] {strides = array<i32>} : memref<2x200x128xf32, #tpu.memory_space<vmem>>, vector<1x1x16xf32>,
        %parallel_loop3A_198 = vector.shape_cast %parallel_loop3A_197 : vector<1x1x16xf32> to vector<16xf32>
        %parallel_loop3A_199 = arith.index_cast %parallel_loop3A_192 : i32 to index
        %parallel_loop3A_200 = arith.constant 0 : index
        %parallel_loop3A_201 = tpu.vector_load %arg10[%parallel_loop3A_199, %parallel_loop3A_200] {strides = array<i32>} : memref<200x64xf32, #tpu.memory_space<vmem>>, vector<1x16xf32>,
        %parallel_loop3A_202 = vector.shape_cast %parallel_loop3A_201 : vector<1x16xf32> to vector<16xf32>
        %parallel_loop3A_203 = arith.addf %parallel_loop3A_198, %parallel_loop3A_202 : vector<16xf32>
        %parallel_loop3A_204 = arith.constant 0 : i32
        %parallel_loop3A_205 = arith.index_cast %parallel_loop3A_204 : i32 to index
        %parallel_loop3A_206 = arith.index_cast %parallel_loop3A_192 : i32 to index
        %parallel_loop3A_207 = arith.constant 16 : index
        %parallel_loop3A_208 = tpu.vector_load %arg9[%parallel_loop3A_205, %parallel_loop3A_206, %parallel_loop3A_207] {strides = array<i32>} : memref<2x200x128xf32, #tpu.memory_space<vmem>>, vector<1x1x16xf32>,
        %parallel_loop3A_209 = vector.shape_cast %parallel_loop3A_208 : vector<1x1x16xf32> to vector<16xf32>
        %parallel_loop3A_210 = arith.index_cast %parallel_loop3A_192 : i32 to index
        %parallel_loop3A_211 = arith.constant 16 : index
        %parallel_loop3A_212 = tpu.vector_load %arg10[%parallel_loop3A_210, %parallel_loop3A_211] {strides = array<i32>} : memref<200x64xf32, #tpu.memory_space<vmem>>, vector<1x16xf32>,
        %parallel_loop3A_213 = vector.shape_cast %parallel_loop3A_212 : vector<1x16xf32> to vector<16xf32>
        %parallel_loop3A_214 = arith.addf %parallel_loop3A_209, %parallel_loop3A_213 : vector<16xf32>
        %parallel_loop3A_215 = arith.constant 0 : i32
        %parallel_loop3A_216 = arith.index_cast %parallel_loop3A_215 : i32 to index
        %parallel_loop3A_217 = arith.index_cast %parallel_loop3A_192 : i32 to index
        %parallel_loop3A_218 = arith.constant 32 : index
        %parallel_loop3A_219 = tpu.vector_load %arg9[%parallel_loop3A_216, %parallel_loop3A_217, %parallel_loop3A_218] {strides = array<i32>} : memref<2x200x128xf32, #tpu.memory_space<vmem>>, vector<1x1x16xf32>,
        %parallel_loop3A_220 = vector.shape_cast %parallel_loop3A_219 : vector<1x1x16xf32> to vector<16xf32>
        %parallel_loop3A_221 = arith.index_cast %parallel_loop3A_192 : i32 to index
        %parallel_loop3A_222 = arith.constant 32 : index
        %parallel_loop3A_223 = tpu.vector_load %arg10[%parallel_loop3A_221, %parallel_loop3A_222] {strides = array<i32>} : memref<200x64xf32, #tpu.memory_space<vmem>>, vector<1x16xf32>,
        %parallel_loop3A_224 = vector.shape_cast %parallel_loop3A_223 : vector<1x16xf32> to vector<16xf32>
        %parallel_loop3A_225 = arith.addf %parallel_loop3A_220, %parallel_loop3A_224 : vector<16xf32>
        %parallel_loop3A_226 = arith.constant 0 : i32
        %parallel_loop3A_227 = arith.index_cast %parallel_loop3A_226 : i32 to index
        %parallel_loop3A_228 = arith.index_cast %parallel_loop3A_192 : i32 to index
        %parallel_loop3A_229 = arith.constant 48 : index
        %parallel_loop3A_230 = tpu.vector_load %arg9[%parallel_loop3A_227, %parallel_loop3A_228, %parallel_loop3A_229] {strides = array<i32>} : memref<2x200x128xf32, #tpu.memory_space<vmem>>, vector<1x1x16xf32>,
        %parallel_loop3A_231 = vector.shape_cast %parallel_loop3A_230 : vector<1x1x16xf32> to vector<16xf32>
        %parallel_loop3A_232 = arith.index_cast %parallel_loop3A_192 : i32 to index
        %parallel_loop3A_233 = arith.constant 48 : index
        %parallel_loop3A_234 = tpu.vector_load %arg10[%parallel_loop3A_232, %parallel_loop3A_233] {strides = array<i32>} : memref<200x64xf32, #tpu.memory_space<vmem>>, vector<1x16xf32>,
        %parallel_loop3A_235 = vector.shape_cast %parallel_loop3A_234 : vector<1x16xf32> to vector<16xf32>
        %parallel_loop3A_236 = arith.addf %parallel_loop3A_231, %parallel_loop3A_235 : vector<16xf32>
        %parallel_loop3A_237 = arith.addf %parallel_loop3A_203, %parallel_loop3A_214 : vector<16xf32>
        %parallel_loop3A_238 = arith.addf %parallel_loop3A_225, %parallel_loop3A_236 : vector<16xf32>
        %parallel_loop3A_239 = arith.addf %parallel_loop3A_237, %parallel_loop3A_238 : vector<16xf32>
        %parallel_loop3A_240 = arith.mulf %parallel_loop3A_203, %parallel_loop3A_203 : vector<16xf32>
        %parallel_loop3A_241 = arith.mulf %parallel_loop3A_214, %parallel_loop3A_214 : vector<16xf32>
        %parallel_loop3A_242 = arith.addf %parallel_loop3A_240, %parallel_loop3A_241 : vector<16xf32>
        %parallel_loop3A_243 = arith.mulf %parallel_loop3A_225, %parallel_loop3A_225 : vector<16xf32>
        %parallel_loop3A_244 = arith.mulf %parallel_loop3A_236, %parallel_loop3A_236 : vector<16xf32>
        %parallel_loop3A_245 = arith.addf %parallel_loop3A_243, %parallel_loop3A_244 : vector<16xf32>
        %parallel_loop3A_246 = arith.addf %parallel_loop3A_242, %parallel_loop3A_245 : vector<16xf32>
        %parallel_loop3A_247 = arith.constant 8 : i32
        %parallel_loop3A_248 = vector.broadcast %parallel_loop3A_247 : i32 to vector<16xi32>
        %parallel_loop3A_249 = arith.xori %iota3A, %parallel_loop3A_248 : vector<16xi32>
        %parallel_loop3A_250 = vector.shape_cast %parallel_loop3A_249 : vector<16xi32> to vector<16x1xi32>
        %parallel_loop3A_251 = vector.shape_cast %parallel_loop3A_250 : vector<16x1xi32> to vector<16xi32>
        %parallel_loop3A_252 = tpu.dynamic_gather %parallel_loop3A_239[%parallel_loop3A_251] in [0] : vector<16xf32>, vector<16xi32> -> vector<16xf32>
        %parallel_loop3A_253 = arith.addf %parallel_loop3A_239, %parallel_loop3A_252 : vector<16xf32>
        %parallel_loop3A_254 = arith.constant 4 : i32
        %parallel_loop3A_255 = vector.broadcast %parallel_loop3A_254 : i32 to vector<16xi32>
        %parallel_loop3A_256 = arith.xori %iota3A, %parallel_loop3A_255 : vector<16xi32>
        %parallel_loop3A_257 = vector.shape_cast %parallel_loop3A_256 : vector<16xi32> to vector<16x1xi32>
        %parallel_loop3A_258 = vector.shape_cast %parallel_loop3A_257 : vector<16x1xi32> to vector<16xi32>
        %parallel_loop3A_259 = tpu.dynamic_gather %parallel_loop3A_253[%parallel_loop3A_258] in [0] : vector<16xf32>, vector<16xi32> -> vector<16xf32>
        %parallel_loop3A_260 = arith.addf %parallel_loop3A_253, %parallel_loop3A_259 : vector<16xf32>
        %parallel_loop3A_261 = arith.constant 2 : i32
        %parallel_loop3A_262 = vector.broadcast %parallel_loop3A_261 : i32 to vector<16xi32>
        %parallel_loop3A_263 = arith.xori %iota3A, %parallel_loop3A_262 : vector<16xi32>
        %parallel_loop3A_264 = vector.shape_cast %parallel_loop3A_263 : vector<16xi32> to vector<16x1xi32>
        %parallel_loop3A_265 = vector.shape_cast %parallel_loop3A_264 : vector<16x1xi32> to vector<16xi32>
        %parallel_loop3A_266 = tpu.dynamic_gather %parallel_loop3A_260[%parallel_loop3A_265] in [0] : vector<16xf32>, vector<16xi32> -> vector<16xf32>
        %parallel_loop3A_267 = arith.addf %parallel_loop3A_260, %parallel_loop3A_266 : vector<16xf32>
        %parallel_loop3A_268 = arith.constant 1 : i32
        %parallel_loop3A_269 = vector.broadcast %parallel_loop3A_268 : i32 to vector<16xi32>
        %parallel_loop3A_270 = arith.xori %iota3A, %parallel_loop3A_269 : vector<16xi32>
        %parallel_loop3A_271 = vector.shape_cast %parallel_loop3A_270 : vector<16xi32> to vector<16x1xi32>
        %parallel_loop3A_272 = vector.shape_cast %parallel_loop3A_271 : vector<16x1xi32> to vector<16xi32>
        %parallel_loop3A_273 = tpu.dynamic_gather %parallel_loop3A_267[%parallel_loop3A_272] in [0] : vector<16xf32>, vector<16xi32> -> vector<16xf32>
        %parallel_loop3A_274 = arith.addf %parallel_loop3A_267, %parallel_loop3A_273 : vector<16xf32>
        %parallel_loop3A_275 = arith.constant 1.562500e-02 : f32
        %parallel_loop3A_276 = vector.broadcast %parallel_loop3A_275 : f32 to vector<16xf32>
        %parallel_loop3A_277 = arith.mulf %parallel_loop3A_274, %parallel_loop3A_276 : vector<16xf32>
        %parallel_loop3A_278 = arith.constant 8 : i32
        %parallel_loop3A_279 = vector.broadcast %parallel_loop3A_278 : i32 to vector<16xi32>
        %parallel_loop3A_280 = arith.xori %iota3A, %parallel_loop3A_279 : vector<16xi32>
        %parallel_loop3A_281 = vector.shape_cast %parallel_loop3A_280 : vector<16xi32> to vector<16x1xi32>
        %parallel_loop3A_282 = vector.shape_cast %parallel_loop3A_281 : vector<16x1xi32> to vector<16xi32>
        %parallel_loop3A_283 = tpu.dynamic_gather %parallel_loop3A_246[%parallel_loop3A_282] in [0] : vector<16xf32>, vector<16xi32> -> vector<16xf32>
        %parallel_loop3A_284 = arith.addf %parallel_loop3A_246, %parallel_loop3A_283 : vector<16xf32>
        %parallel_loop3A_285 = arith.constant 4 : i32
        %parallel_loop3A_286 = vector.broadcast %parallel_loop3A_285 : i32 to vector<16xi32>
        %parallel_loop3A_287 = arith.xori %iota3A, %parallel_loop3A_286 : vector<16xi32>
        %parallel_loop3A_288 = vector.shape_cast %parallel_loop3A_287 : vector<16xi32> to vector<16x1xi32>
        %parallel_loop3A_289 = vector.shape_cast %parallel_loop3A_288 : vector<16x1xi32> to vector<16xi32>
        %parallel_loop3A_290 = tpu.dynamic_gather %parallel_loop3A_284[%parallel_loop3A_289] in [0] : vector<16xf32>, vector<16xi32> -> vector<16xf32>
        %parallel_loop3A_291 = arith.addf %parallel_loop3A_284, %parallel_loop3A_290 : vector<16xf32>
        %parallel_loop3A_292 = arith.constant 2 : i32
        %parallel_loop3A_293 = vector.broadcast %parallel_loop3A_292 : i32 to vector<16xi32>
        %parallel_loop3A_294 = arith.xori %iota3A, %parallel_loop3A_293 : vector<16xi32>
        %parallel_loop3A_295 = vector.shape_cast %parallel_loop3A_294 : vector<16xi32> to vector<16x1xi32>
        %parallel_loop3A_296 = vector.shape_cast %parallel_loop3A_295 : vector<16x1xi32> to vector<16xi32>
        %parallel_loop3A_297 = tpu.dynamic_gather %parallel_loop3A_291[%parallel_loop3A_296] in [0] : vector<16xf32>, vector<16xi32> -> vector<16xf32>
        %parallel_loop3A_298 = arith.addf %parallel_loop3A_291, %parallel_loop3A_297 : vector<16xf32>
        %parallel_loop3A_299 = arith.constant 1 : i32
        %parallel_loop3A_300 = vector.broadcast %parallel_loop3A_299 : i32 to vector<16xi32>
        %parallel_loop3A_301 = arith.xori %iota3A, %parallel_loop3A_300 : vector<16xi32>
        %parallel_loop3A_302 = vector.shape_cast %parallel_loop3A_301 : vector<16xi32> to vector<16x1xi32>
        %parallel_loop3A_303 = vector.shape_cast %parallel_loop3A_302 : vector<16x1xi32> to vector<16xi32>
        %parallel_loop3A_304 = tpu.dynamic_gather %parallel_loop3A_298[%parallel_loop3A_303] in [0] : vector<16xf32>, vector<16xi32> -> vector<16xf32>
        %parallel_loop3A_305 = arith.addf %parallel_loop3A_298, %parallel_loop3A_304 : vector<16xf32>
        %parallel_loop3A_306 = arith.constant 1.562500e-02 : f32
        %parallel_loop3A_307 = vector.broadcast %parallel_loop3A_306 : f32 to vector<16xf32>
        %parallel_loop3A_308 = arith.mulf %parallel_loop3A_305, %parallel_loop3A_307 : vector<16xf32>
        %parallel_loop3A_309 = arith.mulf %parallel_loop3A_277, %parallel_loop3A_277 : vector<16xf32>
        %parallel_loop3A_310 = arith.subf %parallel_loop3A_308, %parallel_loop3A_309 : vector<16xf32>
        %parallel_loop3A_311 = arith.constant 9.99999974E-6 : f32
        %parallel_loop3A_312 = vector.broadcast %parallel_loop3A_311 : f32 to vector<16xf32>
        %parallel_loop3A_313 = arith.addf %parallel_loop3A_310, %parallel_loop3A_312 : vector<16xf32>
        %parallel_loop3A_314 = tpu.bitcast %parallel_loop3A_313 : vector<16xf32> -> vector<16xi32>
        %parallel_loop3A_315 = arith.constant 1 : i32
        %parallel_loop3A_316 = vector.broadcast %parallel_loop3A_315 : i32 to vector<16xi32>
        %parallel_loop3A_317 = arith.shrsi %parallel_loop3A_314, %parallel_loop3A_316 : vector<16xi32>
        %parallel_loop3A_318 = arith.constant 1597463007 : i32
        %parallel_loop3A_319 = vector.broadcast %parallel_loop3A_318 : i32 to vector<16xi32>
        %parallel_loop3A_320 = arith.subi %parallel_loop3A_319, %parallel_loop3A_317 : vector<16xi32>
        %parallel_loop3A_321 = tpu.bitcast %parallel_loop3A_320 : vector<16xi32> -> vector<16xf32>
        %parallel_loop3A_322 = arith.constant 5.000000e-01 : f32
        %parallel_loop3A_323 = vector.broadcast %parallel_loop3A_322 : f32 to vector<16xf32>
        %parallel_loop3A_324 = arith.mulf %parallel_loop3A_313, %parallel_loop3A_323 : vector<16xf32>
        %parallel_loop3A_325 = arith.mulf %parallel_loop3A_324, %parallel_loop3A_321 : vector<16xf32>
        %parallel_loop3A_326 = arith.mulf %parallel_loop3A_325, %parallel_loop3A_321 : vector<16xf32>
        %parallel_loop3A_327 = arith.constant 1.500000e+00 : f32
        %parallel_loop3A_328 = vector.broadcast %parallel_loop3A_327 : f32 to vector<16xf32>
        %parallel_loop3A_329 = arith.subf %parallel_loop3A_328, %parallel_loop3A_326 : vector<16xf32>
        %parallel_loop3A_330 = arith.mulf %parallel_loop3A_321, %parallel_loop3A_329 : vector<16xf32>
        %parallel_loop3A_331 = arith.mulf %parallel_loop3A_324, %parallel_loop3A_330 : vector<16xf32>
        %parallel_loop3A_332 = arith.mulf %parallel_loop3A_331, %parallel_loop3A_330 : vector<16xf32>
        %parallel_loop3A_333 = arith.constant 1.500000e+00 : f32
        %parallel_loop3A_334 = vector.broadcast %parallel_loop3A_333 : f32 to vector<16xf32>
        %parallel_loop3A_335 = arith.subf %parallel_loop3A_334, %parallel_loop3A_332 : vector<16xf32>
        %parallel_loop3A_336 = arith.mulf %parallel_loop3A_330, %parallel_loop3A_335 : vector<16xf32>
        %parallel_loop3A_337 = arith.mulf %parallel_loop3A_324, %parallel_loop3A_336 : vector<16xf32>
        %parallel_loop3A_338 = arith.mulf %parallel_loop3A_337, %parallel_loop3A_336 : vector<16xf32>
        %parallel_loop3A_339 = arith.constant 1.500000e+00 : f32
        %parallel_loop3A_340 = vector.broadcast %parallel_loop3A_339 : f32 to vector<16xf32>
        %parallel_loop3A_341 = arith.subf %parallel_loop3A_340, %parallel_loop3A_338 : vector<16xf32>
        %parallel_loop3A_342 = arith.mulf %parallel_loop3A_336, %parallel_loop3A_341 : vector<16xf32>
        %parallel_loop3A_343 = arith.subf %parallel_loop3A_203, %parallel_loop3A_277 : vector<16xf32>
        %parallel_loop3A_344 = arith.mulf %parallel_loop3A_343, %parallel_loop3A_342 : vector<16xf32>
        %parallel_loop3A_345 = arith.mulf %parallel_loop3A_344, %get3A_4 : vector<16xf32>
        %parallel_loop3A_346 = arith.addf %parallel_loop3A_345, %get3A_16 : vector<16xf32>
        %parallel_loop3A_347 = arith.index_cast %parallel_loop3A_192 : i32 to index
        %parallel_loop3A_348 = arith.constant 0 : index
        %parallel_loop3A_349 = tpu.vector_load %arg11[%parallel_loop3A_347, %parallel_loop3A_348] {strides = array<i32>} : memref<200x64xf32, #tpu.memory_space<vmem>>, vector<1x16xf32>,
        %parallel_loop3A_350 = vector.shape_cast %parallel_loop3A_349 : vector<1x16xf32> to vector<16xf32>
        %parallel_loop3A_351 = vector.shape_cast %parallel_loop3A_346 : vector<16xf32> to vector<1x16xf32>
        tpu.vector_store %arg11[%parallel_loop3A_347, %parallel_loop3A_348], %parallel_loop3A_351 {strides = array<i32>} : memref<200x64xf32, #tpu.memory_space<vmem>>, vector<1x16xf32>,
        %parallel_loop3A_352 = arith.subf %parallel_loop3A_214, %parallel_loop3A_277 : vector<16xf32>
        %parallel_loop3A_353 = arith.mulf %parallel_loop3A_352, %parallel_loop3A_342 : vector<16xf32>
        %parallel_loop3A_354 = arith.mulf %parallel_loop3A_353, %get3A_7 : vector<16xf32>
        %parallel_loop3A_355 = arith.addf %parallel_loop3A_354, %get3A_19 : vector<16xf32>
        %parallel_loop3A_356 = arith.index_cast %parallel_loop3A_192 : i32 to index
        %parallel_loop3A_357 = arith.constant 16 : index
        %parallel_loop3A_358 = tpu.vector_load %arg11[%parallel_loop3A_356, %parallel_loop3A_357] {strides = array<i32>} : memref<200x64xf32, #tpu.memory_space<vmem>>, vector<1x16xf32>,
        %parallel_loop3A_359 = vector.shape_cast %parallel_loop3A_358 : vector<1x16xf32> to vector<16xf32>
        %parallel_loop3A_360 = vector.shape_cast %parallel_loop3A_355 : vector<16xf32> to vector<1x16xf32>
        tpu.vector_store %arg11[%parallel_loop3A_356, %parallel_loop3A_357], %parallel_loop3A_360 {strides = array<i32>} : memref<200x64xf32, #tpu.memory_space<vmem>>, vector<1x16xf32>,
        %parallel_loop3A_361 = arith.subf %parallel_loop3A_225, %parallel_loop3A_277 : vector<16xf32>
        %parallel_loop3A_362 = arith.mulf %parallel_loop3A_361, %parallel_loop3A_342 : vector<16xf32>
        %parallel_loop3A_363 = arith.mulf %parallel_loop3A_362, %get3A_10 : vector<16xf32>
        %parallel_loop3A_364 = arith.addf %parallel_loop3A_363, %get3A_22 : vector<16xf32>
        %parallel_loop3A_365 = arith.index_cast %parallel_loop3A_192 : i32 to index
        %parallel_loop3A_366 = arith.constant 32 : index
        %parallel_loop3A_367 = tpu.vector_load %arg11[%parallel_loop3A_365, %parallel_loop3A_366] {strides = array<i32>} : memref<200x64xf32, #tpu.memory_space<vmem>>, vector<1x16xf32>,
        %parallel_loop3A_368 = vector.shape_cast %parallel_loop3A_367 : vector<1x16xf32> to vector<16xf32>
        %parallel_loop3A_369 = vector.shape_cast %parallel_loop3A_364 : vector<16xf32> to vector<1x16xf32>
        tpu.vector_store %arg11[%parallel_loop3A_365, %parallel_loop3A_366], %parallel_loop3A_369 {strides = array<i32>} : memref<200x64xf32, #tpu.memory_space<vmem>>, vector<1x16xf32>,
        %parallel_loop3A_370 = arith.subf %parallel_loop3A_236, %parallel_loop3A_277 : vector<16xf32>
        %parallel_loop3A_371 = arith.mulf %parallel_loop3A_370, %parallel_loop3A_342 : vector<16xf32>
        %parallel_loop3A_372 = arith.mulf %parallel_loop3A_371, %get3A_13 : vector<16xf32>
        %parallel_loop3A_373 = arith.addf %parallel_loop3A_372, %get3A_25 : vector<16xf32>
        %parallel_loop3A_374 = arith.index_cast %parallel_loop3A_192 : i32 to index
        %parallel_loop3A_375 = arith.constant 48 : index
        %parallel_loop3A_376 = tpu.vector_load %arg11[%parallel_loop3A_374, %parallel_loop3A_375] {strides = array<i32>} : memref<200x64xf32, #tpu.memory_space<vmem>>, vector<1x16xf32>,
        %parallel_loop3A_377 = vector.shape_cast %parallel_loop3A_376 : vector<1x16xf32> to vector<16xf32>
        %parallel_loop3A_378 = vector.shape_cast %parallel_loop3A_373 : vector<16xf32> to vector<1x16xf32>
        tpu.vector_store %arg11[%parallel_loop3A_374, %parallel_loop3A_375], %parallel_loop3A_378 {strides = array<i32>} : memref<200x64xf32, #tpu.memory_space<vmem>>, vector<1x16xf32>,
      } {sc.loop_unroll_factor = 4 : i64, sc.parallel_access}
      %mul3A_124 = arith.constant 2 : i32
      %mul3A_125 = arith.muli %mul3A_124, %scan3A_64 : i32
      %add3A_126 = arith.addi %mul3A_2, %mul3A_125 : i32
      %dma_start3A_127 = arith.constant 0 : i32
      %dma_start3A_128 = arith.constant 0 : i32
      %dma_start3A_129 = tpu.memref_slice %arg7[%add3A_126, %dma_start3A_127, %dma_start3A_128] : memref<1024x200x64xf32, #tpu.memory_space<hbm>> -> memref<1x200x64xf32, #tpu.memory_space<hbm>>
      %dma_start3A_130 = tpu.memref_squeeze %dma_start3A_129 : memref<1x200x64xf32, #tpu.memory_space<hbm>> -> memref<200x64xf32, #tpu.memory_space<hbm>>
      %dma_start3A_131 = arith.constant 0 : i32
      %dma_start3A_132 = arith.constant 0 : i32
      %dma_start3A_133 = tpu.memref_slice %arg7[%add3A_126, %dma_start3A_131, %dma_start3A_132] : memref<1024x200x64xf32, #tpu.memory_space<hbm>> -> memref<1x200x64xf32, #tpu.memory_space<hbm>>
      %dma_start3A_134 = tpu.memref_squeeze %dma_start3A_133 : memref<1x200x64xf32, #tpu.memory_space<hbm>> -> memref<200x64xf32, #tpu.memory_space<hbm>>
      tpu.enqueue_dma source(%arg11 : memref<200x64xf32, #tpu.memory_space<vmem>>) target(%dma_start3A_134 : memref<200x64xf32, #tpu.memory_space<hbm>>) target_semaphore(%arg15 : memref<!tpu.dma_semaphore, #tpu.memory_space<semaphore_mem>>)
      %add3A_135 = arith.constant 1 : i32
      %add3A_136 = arith.addi %scan3A_64, %add3A_135 : i32
      %lt3A = arith.constant 16 : i32
      %lt3A_137 = arith.cmpi slt, %add3A_136, %lt3A : i32
      %convert_element_type3A_138 = arith.extui %lt3A_137 : i1 to i32
      %cond3A_139 = arith.constant 0 : i32
      %cond3A_140 = arith.cmpi ne, %convert_element_type3A_138, %cond3A_139 : i32
      scf.if %cond3A_140 {
        %mul3A_192 = arith.constant 2 : i32
        %mul3A_193 = arith.muli %mul3A_192, %scan3A_64 : i32
        %add3A_194 = arith.constant 2 : i32
        %add3A_195 = arith.addi %mul3A_193, %add3A_194 : i32
        %dma_start3A_196 = arith.constant 0 : i32
        %dma_start3A_197 = arith.constant 0 : i32
        %dma_start3A_198 = arith.constant 0 : i32
        %dma_start3A_199 = arith.constant 0 : i32
        %dma_start3A_200 = tpu.memref_slice %arg9[%dma_start3A_197, %dma_start3A_198, %dma_start3A_199] : memref<2x200x128xf32, #tpu.memory_space<vmem>> -> memref<1x100x128xf32, #tpu.memory_space<vmem>>
        %dma_start3A_201 = tpu.memref_squeeze %dma_start3A_200 : memref<1x100x128xf32, #tpu.memory_space<vmem>> -> memref<100x128xf32, #tpu.memory_space<vmem>>
        %dma_start3A_202 = arith.constant 0 : i32
        %dma_start3A_203 = tpu.memref_slice %arg8[%add3A_195, %dma_start3A_196, %dma_start3A_202] : memref<32x2x100xi32, #tpu.memory_space<vmem>> -> memref<1x1x100xi32, #tpu.memory_space<vmem>>
        %dma_start3A_204 = tpu.memref_squeeze %dma_start3A_203 : memref<1x1x100xi32, #tpu.memory_space<vmem>> -> memref<100xi32, #tpu.memory_space<vmem>>
        %dma_start3A_205 = arith.constant 0 : i32
        %dma_start3A_206 = arith.constant 0 : i32
        %dma_start3A_207 = tpu.memref_slice %arg3[%dma_start3A_205, %dma_start3A_206] : memref<1000000x128xf32, #tpu.memory_space<hbm>> -> memref<1000000x128xf32, #tpu.memory_space<hbm>>
        tpu.enqueue_indirect_dma source(%dma_start3A_207 : memref<1000000x128xf32, #tpu.memory_space<hbm>>) target(%dma_start3A_201 : memref<100x128xf32, #tpu.memory_space<vmem>>) offsets(%dma_start3A_204 : memref<100xi32, #tpu.memory_space<vmem>>) semaphore(%arg14 : memref<!tpu.dma_semaphore, #tpu.memory_space<semaphore_mem>>)
        %dma_start3A_208 = arith.constant 1 : i32
        %dma_start3A_209 = arith.constant 0 : i32
        %dma_start3A_210 = arith.constant 100 : i32
        %dma_start3A_211 = arith.constant 0 : i32
        %dma_start3A_212 = tpu.memref_slice %arg9[%dma_start3A_209, %dma_start3A_210, %dma_start3A_211] : memref<2x200x128xf32, #tpu.memory_space<vmem>> -> memref<1x100x128xf32, #tpu.memory_space<vmem>>
        %dma_start3A_213 = tpu.memref_squeeze %dma_start3A_212 : memref<1x100x128xf32, #tpu.memory_space<vmem>> -> memref<100x128xf32, #tpu.memory_space<vmem>>
        %dma_start3A_214 = arith.constant 0 : i32
        %dma_start3A_215 = tpu.memref_slice %arg8[%add3A_195, %dma_start3A_208, %dma_start3A_214] : memref<32x2x100xi32, #tpu.memory_space<vmem>> -> memref<1x1x100xi32, #tpu.memory_space<vmem>>
        %dma_start3A_216 = tpu.memref_squeeze %dma_start3A_215 : memref<1x1x100xi32, #tpu.memory_space<vmem>> -> memref<100xi32, #tpu.memory_space<vmem>>
        %dma_start3A_217 = arith.constant 0 : i32
        %dma_start3A_218 = arith.constant 0 : i32
        %dma_start3A_219 = tpu.memref_slice %arg3[%dma_start3A_217, %dma_start3A_218] : memref<1000000x128xf32, #tpu.memory_space<hbm>> -> memref<1000000x128xf32, #tpu.memory_space<hbm>>
        tpu.enqueue_indirect_dma source(%dma_start3A_219 : memref<1000000x128xf32, #tpu.memory_space<hbm>>) target(%dma_start3A_213 : memref<100x128xf32, #tpu.memory_space<vmem>>) offsets(%dma_start3A_216 : memref<100xi32, #tpu.memory_space<vmem>>) semaphore(%arg14 : memref<!tpu.dma_semaphore, #tpu.memory_space<semaphore_mem>>)
      } else {
      }
      %dma_wait3A_141 = arith.constant 0 : i32
      %dma_wait3A_142 = arith.constant 0 : i32
      %dma_wait3A_143 = arith.constant 1 : i32
      %dma_wait3A_144 = arith.constant 0 : i32
      %dma_wait3A_145 = arith.constant 0 : i32
      %dma_wait3A_146 = tpu.memref_slice %arg9[%dma_wait3A_143, %dma_wait3A_144, %dma_wait3A_145] : memref<2x200x128xf32, #tpu.memory_space<vmem>> -> memref<1x100x128xf32, #tpu.memory_space<vmem>>
      %dma_wait3A_147 = tpu.memref_squeeze %dma_wait3A_146 : memref<1x100x128xf32, #tpu.memory_space<vmem>> -> memref<100x128xf32, #tpu.memory_space<vmem>>
      %dma_wait3A_148 = arith.constant 0 : i32
      %dma_wait3A_149 = tpu.memref_slice %arg8[%dma_wait3A_141, %dma_wait3A_142, %dma_wait3A_148] : memref<32x2x100xi32, #tpu.memory_space<vmem>> -> memref<1x1x100xi32, #tpu.memory_space<vmem>>
      %dma_wait3A_150 = tpu.memref_squeeze %dma_wait3A_149 : memref<1x1x100xi32, #tpu.memory_space<vmem>> -> memref<100xi32, #tpu.memory_space<vmem>>
      %dma_wait3A_151 = arith.constant 0 : i32
      %dma_wait3A_152 = arith.constant 0 : i32
      %dma_wait3A_153 = tpu.memref_slice %arg3[%dma_wait3A_151, %dma_wait3A_152] : memref<1000000x128xf32, #tpu.memory_space<hbm>> -> memref<1000000x128xf32, #tpu.memory_space<hbm>>
      tpu.wait_indirect_dma semaphore(%arg14 : memref<!tpu.dma_semaphore, #tpu.memory_space<semaphore_mem>>) src(%dma_wait3A_153 : memref<1000000x128xf32, #tpu.memory_space<hbm>>) dst(%dma_wait3A_147 : memref<100x128xf32, #tpu.memory_space<vmem>>)
      %dma_wait3A_154 = arith.constant 0 : i32
      %dma_wait3A_155 = arith.constant 1 : i32
      %dma_wait3A_156 = arith.constant 1 : i32
      %dma_wait3A_157 = arith.constant 100 : i32
      %dma_wait3A_158 = arith.constant 0 : i32
      %dma_wait3A_159 = tpu.memref_slice %arg9[%dma_wait3A_156, %dma_wait3A_157, %dma_wait3A_158] : memref<2x200x128xf32, #tpu.memory_space<vmem>> -> memref<1x100x128xf32, #tpu.memory_space<vmem>>
      %dma_wait3A_160 = tpu.memref_squeeze %dma_wait3A_159 : memref<1x100x128xf32, #tpu.memory_space<vmem>> -> memref<100x128xf32, #tpu.memory_space<vmem>>
      %dma_wait3A_161 = arith.constant 0 : i32
      %dma_wait3A_162 = tpu.memref_slice %arg8[%dma_wait3A_154, %dma_wait3A_155, %dma_wait3A_161] : memref<32x2x100xi32, #tpu.memory_space<vmem>> -> memref<1x1x100xi32, #tpu.memory_space<vmem>>
      %dma_wait3A_163 = tpu.memref_squeeze %dma_wait3A_162 : memref<1x1x100xi32, #tpu.memory_space<vmem>> -> memref<100xi32, #tpu.memory_space<vmem>>
      %dma_wait3A_164 = arith.constant 0 : i32
      %dma_wait3A_165 = arith.constant 0 : i32
      %dma_wait3A_166 = tpu.memref_slice %arg3[%dma_wait3A_164, %dma_wait3A_165] : memref<1000000x128xf32, #tpu.memory_space<hbm>> -> memref<1000000x128xf32, #tpu.memory_space<hbm>>
      tpu.wait_indirect_dma semaphore(%arg14 : memref<!tpu.dma_semaphore, #tpu.memory_space<semaphore_mem>>) src(%dma_wait3A_166 : memref<1000000x128xf32, #tpu.memory_space<hbm>>) dst(%dma_wait3A_160 : memref<100x128xf32, #tpu.memory_space<vmem>>)
      %dma_wait3A_167 = arith.constant 0 : i32
      %dma_wait3A_168 = arith.constant 0 : i32
      %dma_wait3A_169 = tpu.memref_slice %arg7[%mul3A_2, %dma_wait3A_167, %dma_wait3A_168] : memref<1024x200x64xf32, #tpu.memory_space<hbm>> -> memref<1x200x64xf32, #tpu.memory_space<hbm>>
      %dma_wait3A_170 = tpu.memref_squeeze %dma_wait3A_169 : memref<1x200x64xf32, #tpu.memory_space<hbm>> -> memref<200x64xf32, #tpu.memory_space<hbm>>
      %dma_wait3A_171 = arith.constant 0 : i32
      %dma_wait3A_172 = arith.constant 0 : i32
      %dma_wait3A_173 = tpu.memref_slice %arg7[%mul3A_2, %dma_wait3A_171, %dma_wait3A_172] : memref<1024x200x64xf32, #tpu.memory_space<hbm>> -> memref<1x200x64xf32, #tpu.memory_space<hbm>>
      %dma_wait3A_174 = tpu.memref_squeeze %dma_wait3A_173 : memref<1x200x64xf32, #tpu.memory_space<hbm>> -> memref<200x64xf32, #tpu.memory_space<hbm>>
      tpu.wait_dma2 semaphore(%arg15 : memref<!tpu.dma_semaphore, #tpu.memory_space<semaphore_mem>>) src(%arg11 : memref<200x64xf32, #tpu.memory_space<vmem>>) dst(%dma_wait3A_174 : memref<200x64xf32, #tpu.memory_space<hbm>>)
      %parallel_loop3A_175 = arith.constant 0 : i32
      %parallel_loop3A_176 = arith.constant 200 : i32
      %parallel_loop3A_177 = arith.constant 1 : i32
      scf.for %parallel_loop3A_192 = %parallel_loop3A_175 to %parallel_loop3A_176 step %parallel_loop3A_177  : i32 {
        %parallel_loop3A_193 = arith.constant 1 : i32
        %parallel_loop3A_194 = arith.index_cast %parallel_loop3A_193 : i32 to index
        %parallel_loop3A_195 = arith.index_cast %parallel_loop3A_192 : i32 to index
        %parallel_loop3A_196 = arith.constant 0 : index
        %parallel_loop3A_197 = tpu.vector_load %arg9[%parallel_loop3A_194, %parallel_loop3A_195, %parallel_loop3A_196] {strides = array<i32>} : memref<2x200x128xf32, #tpu.memory_space<vmem>>, vector<1x1x16xf32>,
        %parallel_loop3A_198 = vector.shape_cast %parallel_loop3A_197 : vector<1x1x16xf32> to vector<16xf32>
        %parallel_loop3A_199 = arith.index_cast %parallel_loop3A_192 : i32 to index
        %parallel_loop3A_200 = arith.constant 0 : index
        %parallel_loop3A_201 = tpu.vector_load %arg10[%parallel_loop3A_199, %parallel_loop3A_200] {strides = array<i32>} : memref<200x64xf32, #tpu.memory_space<vmem>>, vector<1x16xf32>,
        %parallel_loop3A_202 = vector.shape_cast %parallel_loop3A_201 : vector<1x16xf32> to vector<16xf32>
        %parallel_loop3A_203 = arith.addf %parallel_loop3A_198, %parallel_loop3A_202 : vector<16xf32>
        %parallel_loop3A_204 = arith.constant 1 : i32
        %parallel_loop3A_205 = arith.index_cast %parallel_loop3A_204 : i32 to index
        %parallel_loop3A_206 = arith.index_cast %parallel_loop3A_192 : i32 to index
        %parallel_loop3A_207 = arith.constant 16 : index
        %parallel_loop3A_208 = tpu.vector_load %arg9[%parallel_loop3A_205, %parallel_loop3A_206, %parallel_loop3A_207] {strides = array<i32>} : memref<2x200x128xf32, #tpu.memory_space<vmem>>, vector<1x1x16xf32>,
        %parallel_loop3A_209 = vector.shape_cast %parallel_loop3A_208 : vector<1x1x16xf32> to vector<16xf32>
        %parallel_loop3A_210 = arith.index_cast %parallel_loop3A_192 : i32 to index
        %parallel_loop3A_211 = arith.constant 16 : index
        %parallel_loop3A_212 = tpu.vector_load %arg10[%parallel_loop3A_210, %parallel_loop3A_211] {strides = array<i32>} : memref<200x64xf32, #tpu.memory_space<vmem>>, vector<1x16xf32>,
        %parallel_loop3A_213 = vector.shape_cast %parallel_loop3A_212 : vector<1x16xf32> to vector<16xf32>
        %parallel_loop3A_214 = arith.addf %parallel_loop3A_209, %parallel_loop3A_213 : vector<16xf32>
        %parallel_loop3A_215 = arith.constant 1 : i32
        %parallel_loop3A_216 = arith.index_cast %parallel_loop3A_215 : i32 to index
        %parallel_loop3A_217 = arith.index_cast %parallel_loop3A_192 : i32 to index
        %parallel_loop3A_218 = arith.constant 32 : index
        %parallel_loop3A_219 = tpu.vector_load %arg9[%parallel_loop3A_216, %parallel_loop3A_217, %parallel_loop3A_218] {strides = array<i32>} : memref<2x200x128xf32, #tpu.memory_space<vmem>>, vector<1x1x16xf32>,
        %parallel_loop3A_220 = vector.shape_cast %parallel_loop3A_219 : vector<1x1x16xf32> to vector<16xf32>
        %parallel_loop3A_221 = arith.index_cast %parallel_loop3A_192 : i32 to index
        %parallel_loop3A_222 = arith.constant 32 : index
        %parallel_loop3A_223 = tpu.vector_load %arg10[%parallel_loop3A_221, %parallel_loop3A_222] {strides = array<i32>} : memref<200x64xf32, #tpu.memory_space<vmem>>, vector<1x16xf32>,
        %parallel_loop3A_224 = vector.shape_cast %parallel_loop3A_223 : vector<1x16xf32> to vector<16xf32>
        %parallel_loop3A_225 = arith.addf %parallel_loop3A_220, %parallel_loop3A_224 : vector<16xf32>
        %parallel_loop3A_226 = arith.constant 1 : i32
        %parallel_loop3A_227 = arith.index_cast %parallel_loop3A_226 : i32 to index
        %parallel_loop3A_228 = arith.index_cast %parallel_loop3A_192 : i32 to index
        %parallel_loop3A_229 = arith.constant 48 : index
        %parallel_loop3A_230 = tpu.vector_load %arg9[%parallel_loop3A_227, %parallel_loop3A_228, %parallel_loop3A_229] {strides = array<i32>} : memref<2x200x128xf32, #tpu.memory_space<vmem>>, vector<1x1x16xf32>,
        %parallel_loop3A_231 = vector.shape_cast %parallel_loop3A_230 : vector<1x1x16xf32> to vector<16xf32>
        %parallel_loop3A_232 = arith.index_cast %parallel_loop3A_192 : i32 to index
        %parallel_loop3A_233 = arith.constant 48 : index
        %parallel_loop3A_234 = tpu.vector_load %arg10[%parallel_loop3A_232, %parallel_loop3A_233] {strides = array<i32>} : memref<200x64xf32, #tpu.memory_space<vmem>>, vector<1x16xf32>,
        %parallel_loop3A_235 = vector.shape_cast %parallel_loop3A_234 : vector<1x16xf32> to vector<16xf32>
        %parallel_loop3A_236 = arith.addf %parallel_loop3A_231, %parallel_loop3A_235 : vector<16xf32>
        %parallel_loop3A_237 = arith.addf %parallel_loop3A_203, %parallel_loop3A_214 : vector<16xf32>
        %parallel_loop3A_238 = arith.addf %parallel_loop3A_225, %parallel_loop3A_236 : vector<16xf32>
        %parallel_loop3A_239 = arith.addf %parallel_loop3A_237, %parallel_loop3A_238 : vector<16xf32>
        %parallel_loop3A_240 = arith.mulf %parallel_loop3A_203, %parallel_loop3A_203 : vector<16xf32>
        %parallel_loop3A_241 = arith.mulf %parallel_loop3A_214, %parallel_loop3A_214 : vector<16xf32>
        %parallel_loop3A_242 = arith.addf %parallel_loop3A_240, %parallel_loop3A_241 : vector<16xf32>
        %parallel_loop3A_243 = arith.mulf %parallel_loop3A_225, %parallel_loop3A_225 : vector<16xf32>
        %parallel_loop3A_244 = arith.mulf %parallel_loop3A_236, %parallel_loop3A_236 : vector<16xf32>
        %parallel_loop3A_245 = arith.addf %parallel_loop3A_243, %parallel_loop3A_244 : vector<16xf32>
        %parallel_loop3A_246 = arith.addf %parallel_loop3A_242, %parallel_loop3A_245 : vector<16xf32>
        %parallel_loop3A_247 = arith.constant 8 : i32
        %parallel_loop3A_248 = vector.broadcast %parallel_loop3A_247 : i32 to vector<16xi32>
        %parallel_loop3A_249 = arith.xori %iota3A, %parallel_loop3A_248 : vector<16xi32>
        %parallel_loop3A_250 = vector.shape_cast %parallel_loop3A_249 : vector<16xi32> to vector<16x1xi32>
        %parallel_loop3A_251 = vector.shape_cast %parallel_loop3A_250 : vector<16x1xi32> to vector<16xi32>
        %parallel_loop3A_252 = tpu.dynamic_gather %parallel_loop3A_239[%parallel_loop3A_251] in [0] : vector<16xf32>, vector<16xi32> -> vector<16xf32>
        %parallel_loop3A_253 = arith.addf %parallel_loop3A_239, %parallel_loop3A_252 : vector<16xf32>
        %parallel_loop3A_254 = arith.constant 4 : i32
        %parallel_loop3A_255 = vector.broadcast %parallel_loop3A_254 : i32 to vector<16xi32>
        %parallel_loop3A_256 = arith.xori %iota3A, %parallel_loop3A_255 : vector<16xi32>
        %parallel_loop3A_257 = vector.shape_cast %parallel_loop3A_256 : vector<16xi32> to vector<16x1xi32>
        %parallel_loop3A_258 = vector.shape_cast %parallel_loop3A_257 : vector<16x1xi32> to vector<16xi32>
        %parallel_loop3A_259 = tpu.dynamic_gather %parallel_loop3A_253[%parallel_loop3A_258] in [0] : vector<16xf32>, vector<16xi32> -> vector<16xf32>
        %parallel_loop3A_260 = arith.addf %parallel_loop3A_253, %parallel_loop3A_259 : vector<16xf32>
        %parallel_loop3A_261 = arith.constant 2 : i32
        %parallel_loop3A_262 = vector.broadcast %parallel_loop3A_261 : i32 to vector<16xi32>
        %parallel_loop3A_263 = arith.xori %iota3A, %parallel_loop3A_262 : vector<16xi32>
        %parallel_loop3A_264 = vector.shape_cast %parallel_loop3A_263 : vector<16xi32> to vector<16x1xi32>
        %parallel_loop3A_265 = vector.shape_cast %parallel_loop3A_264 : vector<16x1xi32> to vector<16xi32>
        %parallel_loop3A_266 = tpu.dynamic_gather %parallel_loop3A_260[%parallel_loop3A_265] in [0] : vector<16xf32>, vector<16xi32> -> vector<16xf32>
        %parallel_loop3A_267 = arith.addf %parallel_loop3A_260, %parallel_loop3A_266 : vector<16xf32>
        %parallel_loop3A_268 = arith.constant 1 : i32
        %parallel_loop3A_269 = vector.broadcast %parallel_loop3A_268 : i32 to vector<16xi32>
        %parallel_loop3A_270 = arith.xori %iota3A, %parallel_loop3A_269 : vector<16xi32>
        %parallel_loop3A_271 = vector.shape_cast %parallel_loop3A_270 : vector<16xi32> to vector<16x1xi32>
        %parallel_loop3A_272 = vector.shape_cast %parallel_loop3A_271 : vector<16x1xi32> to vector<16xi32>
        %parallel_loop3A_273 = tpu.dynamic_gather %parallel_loop3A_267[%parallel_loop3A_272] in [0] : vector<16xf32>, vector<16xi32> -> vector<16xf32>
        %parallel_loop3A_274 = arith.addf %parallel_loop3A_267, %parallel_loop3A_273 : vector<16xf32>
        %parallel_loop3A_275 = arith.constant 1.562500e-02 : f32
        %parallel_loop3A_276 = vector.broadcast %parallel_loop3A_275 : f32 to vector<16xf32>
        %parallel_loop3A_277 = arith.mulf %parallel_loop3A_274, %parallel_loop3A_276 : vector<16xf32>
        %parallel_loop3A_278 = arith.constant 8 : i32
        %parallel_loop3A_279 = vector.broadcast %parallel_loop3A_278 : i32 to vector<16xi32>
        %parallel_loop3A_280 = arith.xori %iota3A, %parallel_loop3A_279 : vector<16xi32>
        %parallel_loop3A_281 = vector.shape_cast %parallel_loop3A_280 : vector<16xi32> to vector<16x1xi32>
        %parallel_loop3A_282 = vector.shape_cast %parallel_loop3A_281 : vector<16x1xi32> to vector<16xi32>
        %parallel_loop3A_283 = tpu.dynamic_gather %parallel_loop3A_246[%parallel_loop3A_282] in [0] : vector<16xf32>, vector<16xi32> -> vector<16xf32>
        %parallel_loop3A_284 = arith.addf %parallel_loop3A_246, %parallel_loop3A_283 : vector<16xf32>
        %parallel_loop3A_285 = arith.constant 4 : i32
        %parallel_loop3A_286 = vector.broadcast %parallel_loop3A_285 : i32 to vector<16xi32>
        %parallel_loop3A_287 = arith.xori %iota3A, %parallel_loop3A_286 : vector<16xi32>
        %parallel_loop3A_288 = vector.shape_cast %parallel_loop3A_287 : vector<16xi32> to vector<16x1xi32>
        %parallel_loop3A_289 = vector.shape_cast %parallel_loop3A_288 : vector<16x1xi32> to vector<16xi32>
        %parallel_loop3A_290 = tpu.dynamic_gather %parallel_loop3A_284[%parallel_loop3A_289] in [0] : vector<16xf32>, vector<16xi32> -> vector<16xf32>
        %parallel_loop3A_291 = arith.addf %parallel_loop3A_284, %parallel_loop3A_290 : vector<16xf32>
        %parallel_loop3A_292 = arith.constant 2 : i32
        %parallel_loop3A_293 = vector.broadcast %parallel_loop3A_292 : i32 to vector<16xi32>
        %parallel_loop3A_294 = arith.xori %iota3A, %parallel_loop3A_293 : vector<16xi32>
        %parallel_loop3A_295 = vector.shape_cast %parallel_loop3A_294 : vector<16xi32> to vector<16x1xi32>
        %parallel_loop3A_296 = vector.shape_cast %parallel_loop3A_295 : vector<16x1xi32> to vector<16xi32>
        %parallel_loop3A_297 = tpu.dynamic_gather %parallel_loop3A_291[%parallel_loop3A_296] in [0] : vector<16xf32>, vector<16xi32> -> vector<16xf32>
        %parallel_loop3A_298 = arith.addf %parallel_loop3A_291, %parallel_loop3A_297 : vector<16xf32>
        %parallel_loop3A_299 = arith.constant 1 : i32
        %parallel_loop3A_300 = vector.broadcast %parallel_loop3A_299 : i32 to vector<16xi32>
        %parallel_loop3A_301 = arith.xori %iota3A, %parallel_loop3A_300 : vector<16xi32>
        %parallel_loop3A_302 = vector.shape_cast %parallel_loop3A_301 : vector<16xi32> to vector<16x1xi32>
        %parallel_loop3A_303 = vector.shape_cast %parallel_loop3A_302 : vector<16x1xi32> to vector<16xi32>
        %parallel_loop3A_304 = tpu.dynamic_gather %parallel_loop3A_298[%parallel_loop3A_303] in [0] : vector<16xf32>, vector<16xi32> -> vector<16xf32>
        %parallel_loop3A_305 = arith.addf %parallel_loop3A_298, %parallel_loop3A_304 : vector<16xf32>
        %parallel_loop3A_306 = arith.constant 1.562500e-02 : f32
        %parallel_loop3A_307 = vector.broadcast %parallel_loop3A_306 : f32 to vector<16xf32>
        %parallel_loop3A_308 = arith.mulf %parallel_loop3A_305, %parallel_loop3A_307 : vector<16xf32>
        %parallel_loop3A_309 = arith.mulf %parallel_loop3A_277, %parallel_loop3A_277 : vector<16xf32>
        %parallel_loop3A_310 = arith.subf %parallel_loop3A_308, %parallel_loop3A_309 : vector<16xf32>
        %parallel_loop3A_311 = arith.constant 9.99999974E-6 : f32
        %parallel_loop3A_312 = vector.broadcast %parallel_loop3A_311 : f32 to vector<16xf32>
        %parallel_loop3A_313 = arith.addf %parallel_loop3A_310, %parallel_loop3A_312 : vector<16xf32>
        %parallel_loop3A_314 = tpu.bitcast %parallel_loop3A_313 : vector<16xf32> -> vector<16xi32>
        %parallel_loop3A_315 = arith.constant 1 : i32
        %parallel_loop3A_316 = vector.broadcast %parallel_loop3A_315 : i32 to vector<16xi32>
        %parallel_loop3A_317 = arith.shrsi %parallel_loop3A_314, %parallel_loop3A_316 : vector<16xi32>
        %parallel_loop3A_318 = arith.constant 1597463007 : i32
        %parallel_loop3A_319 = vector.broadcast %parallel_loop3A_318 : i32 to vector<16xi32>
        %parallel_loop3A_320 = arith.subi %parallel_loop3A_319, %parallel_loop3A_317 : vector<16xi32>
        %parallel_loop3A_321 = tpu.bitcast %parallel_loop3A_320 : vector<16xi32> -> vector<16xf32>
        %parallel_loop3A_322 = arith.constant 5.000000e-01 : f32
        %parallel_loop3A_323 = vector.broadcast %parallel_loop3A_322 : f32 to vector<16xf32>
        %parallel_loop3A_324 = arith.mulf %parallel_loop3A_313, %parallel_loop3A_323 : vector<16xf32>
        %parallel_loop3A_325 = arith.mulf %parallel_loop3A_324, %parallel_loop3A_321 : vector<16xf32>
        %parallel_loop3A_326 = arith.mulf %parallel_loop3A_325, %parallel_loop3A_321 : vector<16xf32>
        %parallel_loop3A_327 = arith.constant 1.500000e+00 : f32
        %parallel_loop3A_328 = vector.broadcast %parallel_loop3A_327 : f32 to vector<16xf32>
        %parallel_loop3A_329 = arith.subf %parallel_loop3A_328, %parallel_loop3A_326 : vector<16xf32>
        %parallel_loop3A_330 = arith.mulf %parallel_loop3A_321, %parallel_loop3A_329 : vector<16xf32>
        %parallel_loop3A_331 = arith.mulf %parallel_loop3A_324, %parallel_loop3A_330 : vector<16xf32>
        %parallel_loop3A_332 = arith.mulf %parallel_loop3A_331, %parallel_loop3A_330 : vector<16xf32>
        %parallel_loop3A_333 = arith.constant 1.500000e+00 : f32
        %parallel_loop3A_334 = vector.broadcast %parallel_loop3A_333 : f32 to vector<16xf32>
        %parallel_loop3A_335 = arith.subf %parallel_loop3A_334, %parallel_loop3A_332 : vector<16xf32>
        %parallel_loop3A_336 = arith.mulf %parallel_loop3A_330, %parallel_loop3A_335 : vector<16xf32>
        %parallel_loop3A_337 = arith.mulf %parallel_loop3A_324, %parallel_loop3A_336 : vector<16xf32>
        %parallel_loop3A_338 = arith.mulf %parallel_loop3A_337, %parallel_loop3A_336 : vector<16xf32>
        %parallel_loop3A_339 = arith.constant 1.500000e+00 : f32
        %parallel_loop3A_340 = vector.broadcast %parallel_loop3A_339 : f32 to vector<16xf32>
        %parallel_loop3A_341 = arith.subf %parallel_loop3A_340, %parallel_loop3A_338 : vector<16xf32>
        %parallel_loop3A_342 = arith.mulf %parallel_loop3A_336, %parallel_loop3A_341 : vector<16xf32>
        %parallel_loop3A_343 = arith.subf %parallel_loop3A_203, %parallel_loop3A_277 : vector<16xf32>
        %parallel_loop3A_344 = arith.mulf %parallel_loop3A_343, %parallel_loop3A_342 : vector<16xf32>
        %parallel_loop3A_345 = arith.mulf %parallel_loop3A_344, %get3A_4 : vector<16xf32>
        %parallel_loop3A_346 = arith.addf %parallel_loop3A_345, %get3A_16 : vector<16xf32>
        %parallel_loop3A_347 = arith.index_cast %parallel_loop3A_192 : i32 to index
        %parallel_loop3A_348 = arith.constant 0 : index
        %parallel_loop3A_349 = tpu.vector_load %arg11[%parallel_loop3A_347, %parallel_loop3A_348] {strides = array<i32>} : memref<200x64xf32, #tpu.memory_space<vmem>>, vector<1x16xf32>,
        %parallel_loop3A_350 = vector.shape_cast %parallel_loop3A_349 : vector<1x16xf32> to vector<16xf32>
        %parallel_loop3A_351 = vector.shape_cast %parallel_loop3A_346 : vector<16xf32> to vector<1x16xf32>
        tpu.vector_store %arg11[%parallel_loop3A_347, %parallel_loop3A_348], %parallel_loop3A_351 {strides = array<i32>} : memref<200x64xf32, #tpu.memory_space<vmem>>, vector<1x16xf32>,
        %parallel_loop3A_352 = arith.subf %parallel_loop3A_214, %parallel_loop3A_277 : vector<16xf32>
        %parallel_loop3A_353 = arith.mulf %parallel_loop3A_352, %parallel_loop3A_342 : vector<16xf32>
        %parallel_loop3A_354 = arith.mulf %parallel_loop3A_353, %get3A_7 : vector<16xf32>
        %parallel_loop3A_355 = arith.addf %parallel_loop3A_354, %get3A_19 : vector<16xf32>
        %parallel_loop3A_356 = arith.index_cast %parallel_loop3A_192 : i32 to index
        %parallel_loop3A_357 = arith.constant 16 : index
        %parallel_loop3A_358 = tpu.vector_load %arg11[%parallel_loop3A_356, %parallel_loop3A_357] {strides = array<i32>} : memref<200x64xf32, #tpu.memory_space<vmem>>, vector<1x16xf32>,
        %parallel_loop3A_359 = vector.shape_cast %parallel_loop3A_358 : vector<1x16xf32> to vector<16xf32>
        %parallel_loop3A_360 = vector.shape_cast %parallel_loop3A_355 : vector<16xf32> to vector<1x16xf32>
        tpu.vector_store %arg11[%parallel_loop3A_356, %parallel_loop3A_357], %parallel_loop3A_360 {strides = array<i32>} : memref<200x64xf32, #tpu.memory_space<vmem>>, vector<1x16xf32>,
        %parallel_loop3A_361 = arith.subf %parallel_loop3A_225, %parallel_loop3A_277 : vector<16xf32>
        %parallel_loop3A_362 = arith.mulf %parallel_loop3A_361, %parallel_loop3A_342 : vector<16xf32>
        %parallel_loop3A_363 = arith.mulf %parallel_loop3A_362, %get3A_10 : vector<16xf32>
        %parallel_loop3A_364 = arith.addf %parallel_loop3A_363, %get3A_22 : vector<16xf32>
        %parallel_loop3A_365 = arith.index_cast %parallel_loop3A_192 : i32 to index
        %parallel_loop3A_366 = arith.constant 32 : index
        %parallel_loop3A_367 = tpu.vector_load %arg11[%parallel_loop3A_365, %parallel_loop3A_366] {strides = array<i32>} : memref<200x64xf32, #tpu.memory_space<vmem>>, vector<1x16xf32>,
        %parallel_loop3A_368 = vector.shape_cast %parallel_loop3A_367 : vector<1x16xf32> to vector<16xf32>
        %parallel_loop3A_369 = vector.shape_cast %parallel_loop3A_364 : vector<16xf32> to vector<1x16xf32>
        tpu.vector_store %arg11[%parallel_loop3A_365, %parallel_loop3A_366], %parallel_loop3A_369 {strides = array<i32>} : memref<200x64xf32, #tpu.memory_space<vmem>>, vector<1x16xf32>,
        %parallel_loop3A_370 = arith.subf %parallel_loop3A_236, %parallel_loop3A_277 : vector<16xf32>
        %parallel_loop3A_371 = arith.mulf %parallel_loop3A_370, %parallel_loop3A_342 : vector<16xf32>
        %parallel_loop3A_372 = arith.mulf %parallel_loop3A_371, %get3A_13 : vector<16xf32>
        %parallel_loop3A_373 = arith.addf %parallel_loop3A_372, %get3A_25 : vector<16xf32>
        %parallel_loop3A_374 = arith.index_cast %parallel_loop3A_192 : i32 to index
        %parallel_loop3A_375 = arith.constant 48 : index
        %parallel_loop3A_376 = tpu.vector_load %arg11[%parallel_loop3A_374, %parallel_loop3A_375] {strides = array<i32>} : memref<200x64xf32, #tpu.memory_space<vmem>>, vector<1x16xf32>,
        %parallel_loop3A_377 = vector.shape_cast %parallel_loop3A_376 : vector<1x16xf32> to vector<16xf32>
        %parallel_loop3A_378 = vector.shape_cast %parallel_loop3A_373 : vector<16xf32> to vector<1x16xf32>
        tpu.vector_store %arg11[%parallel_loop3A_374, %parallel_loop3A_375], %parallel_loop3A_378 {strides = array<i32>} : memref<200x64xf32, #tpu.memory_space<vmem>>, vector<1x16xf32>,
      } {sc.loop_unroll_factor = 4 : i64, sc.parallel_access}
      %mul3A_178 = arith.constant 2 : i32
      %mul3A_179 = arith.muli %mul3A_178, %scan3A_64 : i32
      %add3A_180 = arith.constant 1 : i32
      %add3A_181 = arith.addi %mul3A_179, %add3A_180 : i32
      %add3A_182 = arith.addi %mul3A_2, %add3A_181 : i32
      %dma_start3A_183 = arith.constant 0 : i32
      %dma_start3A_184 = arith.constant 0 : i32
      %dma_start3A_185 = tpu.memref_slice %arg7[%add3A_182, %dma_start3A_183, %dma_start3A_184] : memref<1024x200x64xf32, #tpu.memory_space<hbm>> -> memref<1x200x64xf32, #tpu.memory_space<hbm>>
      %dma_start3A_186 = tpu.memref_squeeze %dma_start3A_185 : memref<1x200x64xf32, #tpu.memory_space<hbm>> -> memref<200x64xf32, #tpu.memory_space<hbm>>
      %dma_start3A_187 = arith.constant 0 : i32
      %dma_start3A_188 = arith.constant 0 : i32
      %dma_start3A_189 = tpu.memref_slice %arg7[%add3A_182, %dma_start3A_187, %dma_start3A_188] : memref<1024x200x64xf32, #tpu.memory_space<hbm>> -> memref<1x200x64xf32, #tpu.memory_space<hbm>>
      %dma_start3A_190 = tpu.memref_squeeze %dma_start3A_189 : memref<1x200x64xf32, #tpu.memory_space<hbm>> -> memref<200x64xf32, #tpu.memory_space<hbm>>
      tpu.enqueue_dma source(%arg11 : memref<200x64xf32, #tpu.memory_space<vmem>>) target(%dma_start3A_190 : memref<200x64xf32, #tpu.memory_space<hbm>>) target_semaphore(%arg15 : memref<!tpu.dma_semaphore, #tpu.memory_space<semaphore_mem>>)
      %scan3A_191 = arith.constant 0 : i32
      scf.yield %scan3A_191 : i32
    }
    %scan3A_56 = arith.constant 16 : i32
    %dma_wait3A = arith.constant 0 : i32
    %dma_wait3A_57 = arith.constant 0 : i32
    %dma_wait3A_58 = tpu.memref_slice %arg7[%mul3A_2, %dma_wait3A, %dma_wait3A_57] : memref<1024x200x64xf32, #tpu.memory_space<hbm>> -> memref<1x200x64xf32, #tpu.memory_space<hbm>>
    %dma_wait3A_59 = tpu.memref_squeeze %dma_wait3A_58 : memref<1x200x64xf32, #tpu.memory_space<hbm>> -> memref<200x64xf32, #tpu.memory_space<hbm>>
    %dma_wait3A_60 = arith.constant 0 : i32
    %dma_wait3A_61 = arith.constant 0 : i32
    %dma_wait3A_62 = tpu.memref_slice %arg7[%mul3A_2, %dma_wait3A_60, %dma_wait3A_61] : memref<1024x200x64xf32, #tpu.memory_space<hbm>> -> memref<1x200x64xf32, #tpu.memory_space<hbm>>
    %dma_wait3A_63 = tpu.memref_squeeze %dma_wait3A_62 : memref<1x200x64xf32, #tpu.memory_space<hbm>> -> memref<200x64xf32, #tpu.memory_space<hbm>>
    tpu.wait_dma2 semaphore(%arg15 : memref<!tpu.dma_semaphore, #tpu.memory_space<semaphore_mem>>) src(%arg11 : memref<200x64xf32, #tpu.memory_space<vmem>>) dst(%dma_wait3A_63 : memref<200x64xf32, #tpu.memory_space<hbm>>)
    return
  }
}

</mosaic_0001>

<sc_bundles>
// kernel: kernel.3.cloned.1.call-start
scs
__scs_entry_jumppad:
0x0: {  	(pc) =	sbr.rel $0x88, $3  }
0x1: {  	(tag) =	ssettag $0x0;
	lr =	simm.s32 $0x1  }
0x2: {  	[smem:$0x3F9C] =	sst lr;
	_ =	strace $0xD0000000  }
0x3: {  	_ = 	snop  }
0x4: {  	_ = 	snop  }
0x5: {  	_ = 	snop  }
0x6: {  	_ = 	snop  }
0x7: {  	_ = 	snop  }
__scs_overlays_trampoline_lowered:
0x8: {  	[smem:$0x3FAB] =	sst s0  }
0x9: {  	[smem:$0x3FAC] =	sst s1  }
0xa: {  	[smem:$0x3FAD] =	sst s2  }
0xb: {  	[smem:$0x3FAE] =	sst s3  }
0xc: {  	[smem:$0x3FAF] =	sst s4  }
0xd: {  	[smem:$0x3FB0] =	sst s5  }
0xe: {  	[smem:$0x3FB1] =	sst s6  }
0xf: {  	[smem:$0x3FB2] =	sst s7  }
0x10: {  	[smem:$0x3FB3] =	sst s8  }
0x11: {  	[smem:$0x3FB4] =	sst s9;
	s0 =	simm.s32 @!p0 $0x0  }
0x12: {  	s1 =	sld [smem:$0x3F9A];
	s0 =	simm.s32 @p0 $0x1  }
0x13: {  	[smem:$0x3FB5] =	sst s0;
	s0 =	simm.s32 @!p1 $0x0  }
0x14: {  	s2 =	sld [smem:$0x3F99];
	s0 =	simm.s32 @p1 $0x1  }
0x15: {  	[smem:$0x3FB6] =	sst s0;
	s0 =	simm.s32 @!p2 $0x0  }
0x16: {  	s3 =	sld [smem:$0x3FDB];
	s0 =	simm.s32 @p2 $0x1  }
0x17: {  	s4 =	simm.s32 $0x1BF5;
	[smem:$0x3FB8] =	sst s0  }
0x18: {  	s0 =	sld [smem:$0x3F9B];
	_ =	swait.ge [sflag:s4], $0x0  }
0x19: {  	s7 =	sld [smem:$0x3F9C]  }
0x1a: {  	s8 =	sadd.s32 $0xFFFFE003, lr  }
0x1b: {  	s9 =	sadd.s32 $0xFFFFFEF7, lr;
	s5 =	simm.s32 $0xFFFFFFFF;
	p2 =	slt.u32 s8, $0xFFFFF086  }
0x1c: {  	p1 =	slt.u32 s9, $0xF7A;
	s5 =	simm.s32 @!p2 $0x0  }
0x1d: {  	s5 =	simm.s32 @p1 $0x1;
	p0 =	seq.s32 s7, s2  }
0x1e: {  	s7 =	smul.u32 @!p0 $0xF7A, s2;
	p2 =	seq.s32 @!p0 s5, $0x0  }
0x1f: {  	s9 =	smul.u32 $0xF7A, s1;
	s8 =	simm.s32 @!p0 $0x1BF5;
	p2 =	por !p2, p0  }
0x20: {  	[sflag:s8] =	ssyncset.s32 @!p0 $0xFFFFF086;
	s6 =	sadd.s32 @!p0 s3, s7;
	s7 =	simm.s32 @!p0 $0x108  }
0x21: {  	s3 =	sadd.s32 s3, s9;
	s6 =	sadd.s32 @!p0 $0x88, s6;
	s7 =	simm.s32 @p2 $0x1082  }
0x22: {  	[simem:s7], [sflag:s8] =	dma.local @!p0 [hbm:s6], $0xF7A  }
0x23: {  	s9 =	sor.u32 $0xD0000000, s2;
	s6 =	simm.s32 $0x108;
	_ =	swait.ge @!p0 [sflag:s8], $0x0  }
0x24: {  	s3 =	sadd.s32 $0x88, s3;
	s6 =	simm.s32 @!p1 $0x1082;
	[sflag:s4] =	ssyncset.s32 $0xFFFFF086  }
0x25: {  	[simem:s6], [sflag:s4] =	dma.local [hbm:s3], $0xF7A  }
0x26: {  	[smem:$0x3F9C] =	sst s1;
	(tag) =	ssettag s2;
	_ =	strace s9  }
0x27: {  	s1 =	sld [smem:$0x3FAC]  }
0x28: {  	s2 =	sld [smem:$0x3FAD]  }
0x29: {  	s4 =	sld [smem:$0x3FAF]  }
0x2a: {  	p0 =	seq.s32 s5, $0x0;
	s5 =	sld [smem:$0x3FB0]  }
0x2b: {  	s6 =	sld [smem:$0x3FB1]  }
0x2c: {  	s7 =	sld [smem:$0x3FB2]  }
0x2d: {  	s3 =	simm.s32 $0x108;
	s8 =	sld [smem:$0x3FB3]  }
0x2e: {  	s3 =	simm.s32 @!p0 $0x1082;
	s9 =	sld [smem:$0x3FB4]  }
0x2f: {  	lr =	sadd.s32 s0, s3;
	s0 =	sld [smem:$0x3FAB]  }
0x30: {  	s3 =	sld [smem:$0x3FAE]  }
0x31: {  	[smem:$0x3FB7] =	sst s10  }
0x32: {  	s10 =	sld [smem:$0x3FB5];
	_ =	sdelay $0x3  }
0x33: {  	p0 =	seq.s32 s10, $0x1;
	s10 =	sld [smem:$0x3FB7];
	_ =	sdelay $0x3  }
0x34: {  	[smem:$0x3FB7] =	sst s10  }
0x35: {  	s10 =	sld [smem:$0x3FB6];
	_ =	sdelay $0x3  }
0x36: {  	p1 =	seq.s32 s10, $0x1;
	s10 =	sld [smem:$0x3FB7];
	_ =	sdelay $0x3  }
0x37: {  	[smem:$0x3FB7] =	sst s10  }
0x38: {  	s10 =	sld [smem:$0x3FB8]  }
0x39: {  	_ = 	snop;
	(pc) =	sbr.ind lr, $3  }
0x3a: {  	_ = 	snop  }
0x3b: {  	_ = 	snop  }
0x3c: {  	p2 =	seq.s32 s10, $0x1;
	s10 =	sld [smem:$0x3FB7]  }
0x3d: {  	_ =	shalt  }
0x3e: {  	_ =	shalt  }
0x3f: {  	_ =	shalt  }
0x40: {  	_ =	shalt  }
0x41: {  	_ =	shalt  }
0x42: {  	_ =	shalt  }
0x43: {  	_ =	shalt  }
0x44: {  	_ =	shalt  }
0x45: {  	_ =	shalt  }
0x46: {  	_ =	shalt  }
0x47: {  	_ =	shalt  }
0x48: {  	_ =	shalt  }
0x49: {  	_ =	shalt  }
0x4a: {  	_ =	shalt  }
0x4b: {  	_ =	shalt  }
0x4c: {  	_ =	shalt  }
0x4d: {  	_ =	shalt  }
0x4e: {  	_ =	shalt  }
0x4f: {  	_ =	shalt  }
0x50: {  	_ =	shalt  }
0x51: {  	_ =	shalt  }
0x52: {  	_ =	shalt  }
0x53: {  	_ =	shalt  }
0x54: {  	_ =	shalt  }
0x55: {  	_ =	shalt  }
0x56: {  	_ =	shalt  }
0x57: {  	_ =	shalt  }
0x58: {  	_ =	shalt  }
0x59: {  	_ =	shalt  }
0x5a: {  	_ =	shalt  }
0x5b: {  	_ =	shalt  }
0x5c: {  	_ =	shalt  }
0x5d: {  	_ =	shalt  }
0x5e: {  	_ =	shalt  }
0x5f: {  	_ =	shalt  }
0x60: {  	_ =	shalt  }
0x61: {  	_ =	shalt  }
0x62: {  	_ =	shalt  }
0x63: {  	_ =	shalt  }
0x64: {  	_ =	shalt  }
0x65: {  	_ =	shalt  }
0x66: {  	_ =	shalt  }
0x67: {  	_ =	shalt  }
0x68: {  	_ =	shalt  }
0x69: {  	_ =	shalt  }
0x6a: {  	_ =	shalt  }
0x6b: {  	_ =	shalt  }
0x6c: {  	_ =	shalt  }
0x6d: {  	_ =	shalt  }
0x6e: {  	_ =	shalt  }
0x6f: {  	_ =	shalt  }
0x70: {  	_ =	shalt  }
0x71: {  	_ =	shalt  }
0x72: {  	_ =	shalt  }
0x73: {  	_ =	shalt  }
0x74: {  	_ =	shalt  }
0x75: {  	_ =	shalt  }
0x76: {  	_ =	shalt  }
0x77: {  	_ =	shalt  }
0x78: {  	_ =	shalt  }
0x79: {  	_ =	shalt  }
0x7a: {  	_ =	shalt  }
0x7b: {  	_ =	shalt  }
0x7c: {  	_ =	shalt  }
0x7d: {  	_ =	shalt  }
0x7e: {  	_ =	shalt  }
0x7f: {  	_ =	shalt  }
0x80: {  	_ =	shalt  }
0x81: {  	_ =	shalt  }
0x82: {  	_ =	shalt  }
0x83: {  	_ =	shalt  }
0x84: {  	_ =	shalt  }
0x85: {  	_ =	shalt  }
0x86: {  	_ =	shalt  }
0x87: {  	_ =	shalt  }
.Lfunc_end0:
.L_simem_size_0:
called_computation_lowered:
.L_overlay_start_0:
0x88: {  	s2 =	sld [smem:$0x3FD9]  }
0x89: {  	s3 =	sld [smem:$0x3FFE];
	_ =	sdelay $0x1  }
0x8a: {  	s1 =	srdreg.scid  }
0x8b: {  	s0 =	sand.u32 $0x1, s1  }
0x8c: {  	s17 =	sshll.u32 s0, $0xA;
	s2 =	sadd.s32 s3, s2  }
0x8d: {  	s2 =	sadd.s32 s2, s17  }
0x8e: {  	[smem:$0x3FC3] =	sst s2  }
0x8f: {  	_ = 	snop  }
0x90: {  	s2 =	sld [smem:$0x3FC6]  }
0x91: {  	s18 =	sld [smem:$0x3FC5]  }
0x92: {  	s4 =	sld [smem:$0x3FD0];
	(tm) =	ssettm $0x1  }
0x93: {  	s5 =	sld [smem:$0x3FFB];
	_ =	sdelay $0x3  }
0x94: {  	_ =	strace s5  }
0x95: {  	s5 =	sld [smem:$0x3FFC];
	_ =	sdelay $0x3  }
0x96: {  	_ =	strace s5  }
0x97: {  	s5 =	sld [smem:$0x3FFD];
	_ =	sdelay $0x3  }
0x98: {  	_ =	strace s5  }
0x99: {  	_ =	strace $0x8FFFFFFF  }
0x9a: {  	s19 =	sld [smem:$0x3FDB];
	_ =	sdelay $0x1  }
0x9b: {  	s6 =	simm.s32 $_scs_section_size  }
0x9c: {  	s7 =	simm.s32 $_size__tile_overlayer_lowered;
	s8 =	simm.s32 $_tile_overlayer_lowered  }
0x9d: {  	s22 =	simm.s32 $0x1BFF;
	s21 =	sshll.u32 s8, $0x1;
	s5 =	sadd.s32 s6, s19  }
0x9e: {  	s9 =	simm.s32 $0x0;
	s20 =	sshll.u32 s7, $0x1;
	s7 =	sadd.s32 s21, s5  }
0x9f: {  	[timem:s9], [sflag:s22] =	dma.local [hbm:s7], s20  }
0xa0: {  	_ =	swait.ge [sflag:s22], s20  }
0xa1: {  	s6 =	ssub.s32 $0x0, s20;
	[sflag:s22] =	ssyncset.done $0x0  }
0xa2: {  	[sflag:s22] =	ssyncadd.s32 s6;
	_ =	sdelay $0x1  }
0xa3: {  	s23 =	simm.s32 $0x1B8B  }
0xa4: {  	_ =	swait.ge [sflag:s23], $0x1  }
0xa5: {  	[sflag:s23] =	ssyncset.done $0x0  }
0xa6: {  	s25 =	simm.s32 $0x1B8E;
	s24 =	sld [smem:$0x3FFE];
	[sflag:s23] =	ssyncadd.s32 $0xFFFFFFFF  }
0xa7: {  	s26 =	simm.s32 $execute0_lowered;
	[smem:$0x3FD2] =	sst s25  }
0xa8: {  	s7 =	sshll.u32 s26, $0x1;
	_ =	strace $0x80000046;
	[dreg:$0x1] =	wrdreg $0xFFFFFFFF  }
0xa9: {  	s28 =	simm.s32 $_size_execute0_lowered;
	s5 =	sadd.s32 s5, s7;
	[dreg:$0x0] =	wrdreg $0x0  }
0xaa: {  	s7 =	sshll.u32 s28, $0x1;
	[dreg:$0x2] =	wrdreg s5  }
0xab: {  	[dreg:$0x3] =	wrdreg s7  }
0xac: {  	[dreg:$0x4] =	wrdreg $0xC0  }
0xad: {  	_ =	task [dreg:s9], $0x5FFFF  }
0xae: {  	[dreg:$0x1] =	wrdreg $0xFFFFFFFF  }
0xaf: {  	[dreg:$0x0] =	wrdreg $0x60  }
0xb0: {  	[dreg:$0x2] =	wrdreg s4  }
0xb1: {  	[dreg:$0x3] =	wrdreg s24  }
0xb2: {  	[dreg:$0x4] =	wrdreg s2  }
0xb3: {  	[dreg:$0x5] =	wrdreg s18  }
0xb4: {  	[dreg:$0x6] =	wrdreg $0x9  }
0xb5: {  	_ =	task.clear_ibuf [dreg:s9], $0x7FFFF;
	_ =	strace $0x90000046  }
0xb6: {  	s29 =	simm.s32 $0x9;
	_ =	strace $0x80000048  }
0xb7: {  	_ =	swait.ge [sflag:s29], $0x1  }
0xb8: {  	[sflag:s29] =	ssyncadd.s32 $0xFFFFFFFF  }
0xb9: {  	_ =	strace $0x90000048  }
0xba: {  	_ =	sfence  }
0xbb: {  	s30 =	sld [smem:$0x0];
	_ =	sdelay $0x2  }
0xbc: {  	s31 =	sshll.u32 s1, $0xD;
	s1 =	sshrl.u32 s1, $0x2  }
0xbd: {  	s3 =	sand.u32 $0x4000, s31;
	s1 =	sadd.s32 s1, s30  }
0xbe: {  	s0 =	sor.u32 s3, s0;
	s1 =	sshll.u32 s1, $0x11  }
0xbf: {  	s0 =	sor.u32 s1, s0  }
0xc0: {  	s0 =	sadd.s32 $0x8F2B, s0  }
0xc1: {  	[sflag:s0] =	ssyncadd.remote.s32 $0x1  }
0xc2: {  	_ =	sfence.sel $0xFFFF  }
0xc3: {  	[dreg:$0x0] =	wrdreg $0xFFFFFFFF;
	(pc) =	sbr.abs _section_cstart, $3  }
0xc4: {  	[dreg:$0x1] =	wrdreg $0xFFFFFFFF  }
0xc5: {  	_ =	task.clear_ibuf [dreg:s9], $0x2FFFF;
	_ =	strace $0x9FFFFFFF  }
0xc6: {  	(tm) =	ssettm $0x7FFFFFFF  }
0xc7: {  	_ =	shalt  }
tec
execute0_lowered:
.L_overlay_start_1:
0x0: {  	(tag) =	ssettag $0x1  }
0x1: {  	s0 =	rddreg [dreg:$0x0]  }
0x2: {  	s4 =	rddreg [dreg:$0x1]  }
0x3: {  	s1 =	rddreg [dreg:$0x2];
	v0 =	vimm.s32 $0xFEDCBA98;
	v1 =	vimm.s32 $0x76543210;
	v2 =	vimm.s32 $0xBA98FEDC  }
0x4: {  	s2 =	rddreg [dreg:$0x3];
	s3 =	simm.s32 $0x0;
	s5 =	srdreg.scid;
	v3 =	vimm.s32 $0x32107654;
	v4 =	vimm.s32 $0xDCFE98BA;
	v5 =	vimm.s32 $0x54761032  }
0x5: {  	s7 =	stileid.u32;
	v6 =	vimm.s32 $0xEFCDAB89;
	v7 =	vimm.s32 $0x67452301;
	s12 =	simm.s32 $0xE800;
	s13 =	simm.s32 $0x1B000  }
0x6: {  	s14 =	simm.s32 $0x1B080;
	s15 =	simm.s32 $0x64;
	s16 =	simm.s32 $0x2000;
	v0 =	vunpack.c.l.s4.s8 v0;
	v1 =	vunpack.c.l.s4.s8 v1;
	v2 =	vunpack.c.l.s4.s8 v2  }
0x7: {  	s17 =	simm.s32 $0x80;
	s18 =	simm.s32 $0x5200;
	s19 =	simm.s32 $0x8400;
	v3 =	vunpack.c.l.s4.s8 v3;
	v4 =	vunpack.c.l.s4.s8 v4;
	v5 =	vunpack.c.l.s4.s8 v5  }
0x8: {  	s20 =	simm.s32 $0xB600;
	s21 =	simm.s32 $0x1;
	s22 =	simm.s32 $0x14C00;
	v6 =	vunpack.c.l.s4.s8 v6;
	v7 =	vunpack.c.l.s4.s8 v7;
	v0 =	vunpack.c.0.s8.s32 v0  }
0x9: {  	s23 =	simm.s32 $0x2;
	s24 =	simm.s32 $0x0;
	[smem:$0x7FF] =	sst s3;
	v2 =	vunpack.c.0.s8.s32 v2;
	v3 =	vunpack.c.0.s8.s32 v3;
	v4 =	vunpack.c.0.s8.s32 v4  }
0xa: {  	s6 =	sand.u32 $0x1, s5;
	s5 =	sadd.s32 $0xF43C00, s4;
	s7 =	sshll.u32 s7, $0x6;
	v5 =	vunpack.c.0.s8.s32 v5;
	v6 =	vunpack.c.0.s8.s32 v6;
	v7 =	vunpack.c.0.s8.s32 v7  }
0xb: {  	_ =	strace $0x80000047;
	s8 =	sshll.u32 s6, $0x5;
	s9 =	ssub.s32 $0x2, s6;
	v1 =	vunpack.c.0.s8.s32 v1;
	v2 =	vcombine.low v3, v2  }
0xc: {  	s6 =	sor.u32 s8, s7;
	s7 =	sadd.s32 $0xF42E00, s4;
	s10 =	sshrl.u32 s9, $0x1;
	v3 =	vcombine.low v5, v4;
	v4 =	vcombine.low v7, v6;
	v0 =	vand.u32 $0xF, v0  }
0xd: {  	s8 =	sadd.s32 $0xA00, s4;
	s11 =	sshll.u32 s6, $0x5;
	s31 =	ssub.s32 s9, s10;
	v0 =	vcombine.low v0, v1  }
0xe: {  	s9 =	sadd.s32 s0, s11;
	s10 =	smax.u32 s31, $0x1;
	s11 =	simm.s32 $0x3;
	v1 =	vand.u32 $0xF, v2;
	v2 =	vand.u32 $0xF, v3;
	v3 =	vand.u32 $0xF, v4  }
.LBB2_1:
0xf: {  	[tilespmem:s3], [sflag:$0x3] =	stream.linear.gather [hbm4b:s9+s3], $0x2000, $0x38;
	[tilespmem:$0x1B100] =	vst v63  }
0x10: {  	_ =	swait.ge [sflag:s11], $0x2000  }
0x11: {  	[sflag:s11] =	ssyncset.done $0x0  }
0x12: {  	[sflag:s11] =	ssyncadd.s32 $0xFFFFE000  }
0x13: {  	[tilespmem:s12], [sflag:$0x3] =	stream.linear.gather [hbm4b:s7+s3], $0x6400, $0x38;
	[tilespmem:$0x1B100] =	vst v63  }
0x14: {  	_ =	swait.ge [sflag:s11], $0x6400  }
0x15: {  	[sflag:s11] =	ssyncset.done $0x0  }
0x16: {  	[sflag:s11] =	ssyncadd.s32 $0xFFFF9C00  }
0x17: {  	[tilespmem:s13], [sflag:$0x3] =	stream.linear.gather [hbm4b:s1+s3], $0x80, $0x38;
	[tilespmem:$0x1B100] =	vst v63  }
0x18: {  	_ =	swait.ge [sflag:s11], $0x80  }
0x19: {  	[sflag:s11] =	ssyncset.done $0x0  }
0x1a: {  	[sflag:s11] =	ssyncadd.s32 $0xFFFFFF80  }
0x1b: {  	[tilespmem:s14], [sflag:$0x3] =	stream.linear.gather [hbm4b:s2+s3], $0x80, $0x38;
	[tilespmem:$0x1B100] =	vst v63  }
0x1c: {  	_ =	swait.ge [sflag:s11], $0x80  }
0x1d: {  	[sflag:s11] =	ssyncset.done $0x0  }
0x1e: {  	[sflag:s11] =	ssyncadd.s32 $0xFFFFFF80  }
0x1f: {  	v4 =	vld [tilespmem:$0x1B000]  }
0x20: {  	v5 =	vld [tilespmem:$0x1B010]  }
0x21: {  	v6 =	vld [tilespmem:$0x1B020]  }
0x22: {  	v7 =	vld [tilespmem:$0x1B030]  }
0x23: {  	v8 =	vld [tilespmem:$0x1B080]  }
0x24: {  	v9 =	vld [tilespmem:$0x1B090]  }
0x25: {  	v10 =	vld [tilespmem:$0x1B0A0]  }
0x26: {  	v11 =	vld [tilespmem:$0x1B0B0];
	[tilespmem:s16], [sflag:$0x1] =	stream.indirect.gather [hbm4b:s5+s15], $0x80, s3, s15, $0xb8  }
0x27: {  	s26 =	simm.s32 $0x0  }
0x28: {  	[tilespmem:s18], [sflag:$0x1] =	stream.indirect.gather [hbm4b:s5+s15], $0x80, s17, s15, $0xb8;
	[tilespmem:$0x1B100] =	vst v63  }
.LBB2_2:
0x29: {  	s25 =	sshllo.u32 s26, $0x1  }
0x2a: {  	s0 =	sshll.u32 s25, $0x8  }
0x2b: {  	s0 =	sand.u32 $0x3FFFFF00, s0  }
0x2c: {  	[tilespmem:s19], [sflag:$0x1] =	stream.indirect.gather [hbm4b:s5+s15], $0x80, s0, s15, $0xb8;
	[tilespmem:$0x1B100] =	vst v63  }
0x2d: {  	s0 =	sor.u32 $0x80, s0  }
0x2e: {  	[tilespmem:s20], [sflag:$0x1] =	stream.indirect.gather [hbm4b:s5+s15], $0x80, s0, s15, $0xb8;
	[tilespmem:$0x1B100] =	vst v63  }
0x2f: {  	_ =	swait.ge [sflag:s21], $0x3200  }
0x30: {  	[sflag:s21] =	ssyncset.done $0x0  }
0x31: {  	[sflag:s21] =	ssyncadd.s32 $0xFFFFCE00  }
0x32: {  	_ =	swait.ge [sflag:s21], $0x3200  }
0x33: {  	p0 =	seq.s32 s26, $0x0;
	[sflag:s21] =	ssyncset.done $0x0  }
0x34: {  	s0 =	simm.s32 @!p0 $0x2;
	[sflag:s21] =	ssyncadd.s32 $0xFFFFCE00  }
0x35: {  	_ =	swait.ge @!p0 [sflag:s0], $0x6400  }
0x36: {  	[sflag:s0] =	ssyncset.done @!p0 $0x0  }
0x37: {  	[sflag:s0] =	ssyncadd.s32 @!p0 $0xFFFF9C00;
	s0 =	simm.s32 $0x2100  }
0x38: {  	s4 =	simm.s32 $0xE900;
	v12 =	vld [tilespmem:s0+$0x80]  }
0x39: {  	v13 =	vld [tilespmem:s4+$0x80]  }
0x3a: {  	v15 =	vld [tilespmem:s0+$0x90]  }
0x3b: {  	v16 =	vld [tilespmem:s4+$0x90]  }
0x3c: {  	v17 =	vld [tilespmem:s0+$0xA0]  }
0x3d: {  	v18 =	vld [tilespmem:s4+$0xA0]  }
0x3e: {  	v19 =	vld [tilespmem:s0+$0xB0]  }
0x3f: {  	v20 =	vld [tilespmem:s4+$0xB0]  }
0x40: {  	v28 =	vld [tilespmem:s4+$0xFFFFFF00]  }
0x41: {  	v21 =	vld [tilespmem:s0+$0xFFFFFF10]  }
0x42: {  	v22 =	vld [tilespmem:s4+$0xFFFFFF10]  }
0x43: {  	v23 =	vld [tilespmem:s0+$0xFFFFFF20]  }
0x44: {  	v27 =	vld [tilespmem:s0+$0xFFFFFF80];
	v14 =	vadd.f32 v13, v12;
	v13 =	vadd.f32 v16, v15  }
0x45: {  	v41 =	vld [tilespmem:s0+$0xFFFFFF00];
	v12 =	vadd.f32 v18, v17;
	v16 =	vadd.f32 v20, v19  }
0x46: {  	v15 =	vld [tilespmem:s4+$0xFFFFFF20];
	v18 =	vadd.f32 v13, v14  }
0x47: {  	v17 =	vld [tilespmem:s0+$0xFFFFFF30];
	v19 =	vadd.f32 v16, v12;
	v24 =	vmul.f32 v14, v14;
	v25 =	vmul.f32 v13, v13  }
0x48: {  	v20 =	vld [tilespmem:s4+$0xFFFFFF30];
	v26 =	vmul.f32 v12, v12;
	v29 =	vmul.f32 v16, v16  }
0x49: {  	v30 =	vld [tilespmem:s4+$0xFFFFFF80];
	v18 =	vadd.f32 v19, v18  }
0x4a: {  	v31 =	vld [tilespmem:s0+$0xFFFFFF90];
	v19 =	vadd.f32 v25, v24;
	v24 =	vadd.f32 v29, v26  }
0x4b: {  	v28 =	vadd.f32 v28, v41;
	v25 =	vld [tilespmem:s4+$0xFFFFFF90];
	v26 =	vperm.xlane v18, v0  }
0x4c: {  	v33 =	vld [tilespmem:s0+$0x0];
	v24 =	vadd.f32 v24, v19;
	v19 =	vadd.f32 v15, v23  }
0x4d: {  	v29 =	vld [tilespmem:s0+$0xFFFFFFA0];
	v17 =	vadd.f32 v20, v17;
	v23 =	vadd.f32 v18, v26  }
0x4e: {  	v15 =	vld [tilespmem:s4+$0xFFFFFFA0];
	v32 =	vperm.xlane v24, v0;
	v26 =	vadd.f32 v22, v21;
	v21 =	vmul.f32 v19, v19  }
0x4f: {  	v20 =	vld [tilespmem:s0+$0xFFFFFFB0];
	v18 =	vadd.f32 v30, v27;
	v30 =	vmul.f32 v17, v17;
	v57 =	vadd.f32 v17, v19  }
0x50: {  	v27 =	vld [tilespmem:s4+$0xFFFFFFB0];
	v22 =	vadd.f32 v25, v31;
	v24 =	vadd.f32 v32, v24  }
0x51: {  	v25 =	vld [tilespmem:s4+$0x0];
	v34 =	vperm.xlane v23, v1;
	v30 =	vadd.f32 v30, v21;
	v35 =	vmul.f32 v18, v18  }
0x52: {  	v21 =	vld [tilespmem:s0+$0x10];
	v50 =	vadd.f32 v26, v28;
	v36 =	vadd.f32 v22, v18;
	v58 =	vperm.xlane v24, v1  }
0x53: {  	v31 =	vadd.f32 v23, v34;
	v23 =	vadd.f32 v15, v29;
	v15 =	vmul.f32 v22, v22;
	v29 =	vld [tilespmem:s4+$0x10]  }
0x54: {  	v37 =	vld [tilespmem:s0+$0x20];
	v41 =	vmul.f32 v28, v28;
	v32 =	vadd.f32 v57, v50;
	v34 =	vadd.f32 v58, v24  }
0x55: {  	v38 =	vperm.xlane v31, v2;
	v24 =	vadd.f32 v27, v20;
	v15 =	vadd.f32 v15, v35;
	v20 =	vld [tilespmem:s4+$0x20]  }
0x56: {  	v59 =	vld [tilespmem:s0+$0x30];
	v27 =	vmul.f32 v23, v23;
	v25 =	vadd.f32 v25, v33;
	v60 =	vperm.xlane v34, v2  }
0x57: {  	v40 =	vld [tilespmem:s4+$0x30];
	v31 =	vadd.f32 v31, v38;
	v61 =	vadd.f32 v24, v23;
	v39 =	vmul.f32 v24, v24  }
0x58: {  	v62 =	vmul.f32 v25, v25;
	v21 =	vadd.f32 v29, v21;
	v34 =	vadd.f32 v60, v34  }
0x59: {  	v29 =	vperm.xlane v31, v3;
	v33 =	vadd.f32 v61, v36;
	v27 =	vadd.f32 v39, v27  }
0x5a: {  	v20 =	vadd.f32 v20, v37;
	v45 =	vadd.f32 v21, v25;
	v46 =	vmul.f32 v21, v21  }
0x5b: {  	v29 =	vadd.f32 v31, v29;
	v31 =	vperm.xlane v34, v3;
	v63 =	vadd.f32 v27, v15  }
0x5c: {  	v15 =	vadd.f32 v40, v59;
	v51 =	vperm.xlane v33, v0;
	v47 =	vadd.f32 v46, v62  }
0x5d: {  	v49 =	vmul.f32 v20, v20;
	v27 =	vmul.f32 $1.562500000e-02, v29;
	v29 =	vadd.f32 v31, v34  }
0x5e: {  	v31 =	vmul.f32 v26, v26;
	v35 =	vadd.f32 v15, v20;
	v42 =	vmul.f32 v15, v15  }
0x5f: {  	v52 =	vperm.xlane v63, v0;
	v33 =	vadd.f32 v33, v51;
	v29 =	vmul.f32 $1.562500000e-02, v29  }
0x60: {  	v48 =	vmul.f32 v27, v27;
	v35 =	vadd.f32 v35, v45;
	v31 =	vadd.f32 v31, v41  }
0x61: {  	v39 =	vadd.f32 v42, v49;
	v37 =	vadd.f32 v52, v63  }
0x62: {  	v29 =	vsub.f32 v29, v48;
	v30 =	vadd.f32 v30, v31;
	v31 =	vperm.xlane v32, v0  }
0x63: {  	v58 =	vperm.xlane v33, v1;
	v53 =	vperm.xlane v35, v0;
	v34 =	vadd.f32 v39, v47  }
0x64: {  	v61 =	vperm.xlane v37, v1;
	v29 =	vadd.f32 $9.999999740e-06, v29;
	v31 =	vadd.f32 v32, v31  }
0x65: {  	v55 =	vperm.xlane v30, v0;
	v35 =	vadd.f32 v35, v53;
	v39 =	vperm.xlane v34, v0  }
0x66: {  	v32 =	vadd.f32 v33, v58;
	v33 =	vadd.f32 v61, v37;
	v54 =	vshra.s32 v29, $0x1  }
0x67: {  	v29 =	vmul.f32 $5.000000000e-01, v29;
	v57 =	vperm.xlane v31, v1;
	v30 =	vadd.f32 v55, v30  }
0x68: {  	v59 =	vperm.xlane v35, v1;
	v45 =	vperm.xlane v32, v2;
	v36 =	vsub.s32 $0x5F3759DF, v54  }
0x69: {  	v34 =	vadd.f32 v39, v34;
	v48 =	vperm.xlane v33, v2;
	v56 =	vmul.f32 v36, v29  }
0x6a: {  	v31 =	vadd.f32 v31, v57;
	v60 =	vperm.xlane v30, v1;
	v35 =	vadd.f32 v35, v59  }
0x6b: {  	v44 =	vperm.xlane v34, v1;
	v32 =	vadd.f32 v32, v45;
	v33 =	vadd.f32 v48, v33  }
0x6c: {  	v40 =	vmul.f32 v36, v56;
	v63 =	vperm.xlane v31, v2;
	v30 =	vadd.f32 v60, v30  }
0x6d: {  	v47 =	vperm.xlane v35, v2;
	v34 =	vadd.f32 v44, v34;
	v51 =	vperm.xlane v32, v3  }
0x6e: {  	v54 =	vperm.xlane v33, v3;
	v46 =	vperm.xlane v30, v2;
	v31 =	vadd.f32 v31, v63  }
0x6f: {  	v62 =	vsub.f32 $1.500000000e+00, v40;
	v35 =	vadd.f32 v35, v47;
	v49 =	vperm.xlane v34, v2  }
0x70: {  	v32 =	vadd.f32 v32, v51;
	v30 =	vadd.f32 v46, v30;
	v50 =	vperm.xlane v31, v3  }
0x71: {  	v33 =	vadd.f32 v54, v33;
	v53 =	vperm.xlane v35, v3;
	v34 =	vadd.f32 v49, v34  }
0x72: {  	v36 =	vmul.f32 v36, v62;
	v52 =	vperm.xlane v30, v3;
	v31 =	vadd.f32 v31, v50  }
0x73: {  	v32 =	vmul.f32 $1.562500000e-02, v32;
	v35 =	vadd.f32 v35, v53;
	v55 =	vperm.xlane v34, v3  }
0x74: {  	v33 =	vmul.f32 $1.562500000e-02, v33;
	v30 =	vadd.f32 v52, v30;
	v31 =	vmul.f32 $1.562500000e-02, v31  }
0x75: {  	v57 =	vmul.f32 v32, v32;
	v35 =	vmul.f32 $1.562500000e-02, v35;
	v34 =	vadd.f32 v55, v34  }
0x76: {  	v30 =	vmul.f32 $1.562500000e-02, v30;
	v56 =	vmul.f32 v31, v31  }
0x77: {  	v33 =	vsub.f32 v33, v57;
	v34 =	vmul.f32 $1.562500000e-02, v34;
	v58 =	vmul.f32 v35, v35  }
0x78: {  	v59 =	vmul.f32 v36, v29;
	v30 =	vsub.f32 v30, v56  }
0x79: {  	v33 =	vadd.f32 $9.999999740e-06, v33;
	v34 =	vsub.f32 v34, v58  }
0x7a: {  	v37 =	vmul.f32 v59, v36;
	v30 =	vadd.f32 $9.999999740e-06, v30  }
0x7b: {  	v61 =	vshra.s32 v33, $0x1;
	v33 =	vmul.f32 $5.000000000e-01, v33;
	v34 =	vadd.f32 $9.999999740e-06, v34  }
0x7c: {  	v39 =	vsub.s32 $0x5F3759DF, v61;
	v60 =	vshra.s32 v30, $0x1;
	v30 =	vmul.f32 $5.000000000e-01, v30  }
0x7d: {  	v62 =	vshra.s32 v34, $0x1;
	v34 =	vmul.f32 $5.000000000e-01, v34;
	v38 =	vsub.s32 $0x5F3759DF, v60  }
0x7e: {  	v45 =	vmul.f32 v39, v33;
	v40 =	vsub.s32 $0x5F3759DF, v62;
	v63 =	vmul.f32 v38, v30  }
0x7f: {  	v37 =	vsub.f32 $1.500000000e+00, v37;
	v43 =	vmul.f32 v40, v34  }
0x80: {  	v42 =	vmul.f32 v39, v45;
	v41 =	vmul.f32 v38, v63  }
0x81: {  	v16 =	vsub.f32 v16, v27;
	v36 =	vmul.f32 v37, v36;
	v43 =	vmul.f32 v40, v43  }
0x82: {  	v47 =	vsub.f32 $1.500000000e+00, v42;
	v46 =	vsub.f32 $1.500000000e+00, v41  }
0x83: {  	v14 =	vsub.f32 v14, v27;
	v29 =	vmul.f32 v36, v29;
	v48 =	vsub.f32 $1.500000000e+00, v43  }
0x84: {  	v13 =	vsub.f32 v13, v27;
	v49 =	vmul.f32 v39, v47;
	v37 =	vmul.f32 v38, v46  }
0x85: {  	v12 =	vsub.f32 v12, v27;
	v29 =	vmul.f32 v29, v36;
	v50 =	vmul.f32 v40, v48  }
0x86: {  	s4 =	simm.s32 $0x2300;
	v23 =	vsub.f32 v23, v32;
	v41 =	vmul.f32 v49, v33;
	v51 =	vmul.f32 v37, v30  }
0x87: {  	v54 =	vld [tilespmem:s4+$0x80];
	v43 =	vsub.f32 v26, v31;
	v26 =	vsub.f32 $1.500000000e+00, v29;
	v42 =	vmul.f32 v50, v34  }
0x88: {  	s28 =	simm.s32 $0xEB00;
	v24 =	vsub.f32 v24, v32;
	v59 =	vld [tilespmem:s4+$0xB0];
	v52 =	vmul.f32 v41, v49;
	v29 =	vmul.f32 v51, v37  }
0x89: {  	v44 =	vsub.f32 v19, v31;
	v56 =	vld [tilespmem:s28+$0xFFFFFF10];
	v36 =	vmul.f32 v26, v36;
	v53 =	vmul.f32 v42, v50  }
0x8a: {  	v45 =	vld [tilespmem:s4+$0x90];
	v40 =	vsub.f32 $1.500000000e+00, v52;
	v19 =	vsub.f32 $1.500000000e+00, v29  }
0x8b: {  	v55 =	vsub.f32 v18, v32;
	v63 =	vld [tilespmem:s4+$0xFFFFFF10];
	v26 =	vmul.f32 v36, v16;
	v41 =	vsub.f32 $1.500000000e+00, v53  }
0x8c: {  	v46 =	vsub.f32 v17, v31;
	v17 =	vld [tilespmem:s28+$0x90];
	v38 =	vmul.f32 v40, v49;
	v16 =	vmul.f32 v19, v37  }
0x8d: {  	v28 =	vsub.f32 v28, v31;
	v12 =	vmul.f32 v36, v12;
	v29 =	vld [tilespmem:s28+$0x80];
	v39 =	vmul.f32 v41, v50  }
0x8e: {  	v47 =	vsub.f32 v22, v32;
	v22 =	vmul.f32 v38, v33;
	v19 =	vld [tilespmem:s4+$0xA0];
	v18 =	vmul.f32 v16, v30  }
0x8f: {  	v25 =	vsub.f32 v25, v35;
	v26 =	vmul.f32 v26, v7;
	v30 =	vld [tilespmem:s28+$0xA0];
	v31 =	vmul.f32 v39, v34  }
0x90: {  	v60 =	vld [tilespmem:s28+$0xB0];
	v32 =	vadd.f32 v56, v63;
	v61 =	vmul.f32 v22, v38;
	v18 =	vmul.f32 v18, v16  }
0x91: {  	v17 =	vadd.f32 v17, v45;
	v22 =	vmul.f32 v36, v13;
	v62 =	vmul.f32 v31, v39  }
0x92: {  	v57 =	vld [tilespmem:s4+$0xFFFFFF30];
	v13 =	vsub.f32 $1.500000000e+00, v61;
	v31 =	vmul.f32 v36, v14;
	v14 =	vsub.f32 $1.500000000e+00, v18  }
0x93: {  	v63 =	vld [tilespmem:s28+$0xFFFFFFB0];
	v45 =	vmul.f32 v17, v17;
	v27 =	vsub.f32 $1.500000000e+00, v62;
	v18 =	vadd.f32 v29, v54  }
0x94: {  	v52 =	vld [tilespmem:s28+$0xFFFFFFA0];
	v31 =	vmul.f32 v31, v4;
	v14 =	vmul.f32 v14, v16;
	v16 =	vadd.f32 v30, v19  }
0x95: {  	v50 =	vld [tilespmem:s28+$0xFFFFFF30];
	v19 =	vadd.f32 v60, v59;
	v30 =	vmul.f32 v13, v38;
	v33 =	vmul.f32 v27, v39  }
0x96: {  	v49 =	vsub.f32 v21, v35;
	v37 =	vld [tilespmem:s4+$0xFFFFFF90];
	v59 =	vmul.f32 v18, v18;
	v21 =	vmul.f32 v16, v16  }
0x97: {  	v62 =	vld [tilespmem:s4+$0xFFFFFFA0];
	v13 =	vadd.f32 v17, v18;
	v51 =	vmul.f32 v19, v19;
	v42 =	vmul.f32 v14, v28  }
0x98: {  	v29 =	vld [tilespmem:s4+$0xFFFFFF20];
	v58 =	vadd.f32 v19, v16;
	v40 =	vmul.f32 v14, v43;
	v41 =	vmul.f32 v14, v44  }
0x99: {  	v27 =	vld [tilespmem:s28+$0xFFFFFF20];
	v39 =	vadd.f32 v45, v59;
	v45 =	vsub.f32 v20, v35;
	v43 =	vmul.f32 v14, v46  }
0x9a: {  	v60 =	vld [tilespmem:s28+$0xFFFFFF80];
	v20 =	vmul.f32 v30, v55;
	v35 =	vsub.f32 v15, v35;
	v38 =	vadd.f32 v58, v13  }
0x9b: {  	v28 =	vld [tilespmem:s4+$0xFFFFFF80];
	v14 =	vmul.f32 v30, v23;
	v15 =	vmul.f32 v30, v24;
	v21 =	vadd.f32 v51, v21  }
0x9c: {  	v46 =	vld [tilespmem:s28+$0xFFFFFF90];
	v23 =	vmul.f32 v33, v49;
	v36 =	vadd.f32 v52, v62;
	v61 =	vperm.xlane v38, v0  }
0x9d: {  	v34 =	vld [tilespmem:s28+$0x20];
	v13 =	vmul.f32 v30, v47;
	v42 =	vmul.f32 v42, v4;
	v39 =	vadd.f32 v21, v39  }
0x9e: {  	v59 =	vld [tilespmem:s28+$0x0];
	v40 =	vmul.f32 v40, v5;
	v29 =	vadd.f32 v27, v29;
	v24 =	vadd.f32 v38, v61  }
0x9f: {  	v58 =	vld [tilespmem:s4+$0x0];
	v21 =	vmul.f32 v33, v25;
	v25 =	vadd.f32 v50, v57;
	v30 =	vperm.xlane v39, v0  }
0xa0: {  	v57 =	vmul.f32 v29, v29;
	v27 =	vadd.f32 v60, v28;
	v38 =	vld [tilespmem:s4+$0xFFFFFFB0];
	v56 =	vperm.xlane v24, v1  }
0xa1: {  	v28 =	vmul.f32 v25, v25;
	v39 =	vadd.f32 v30, v39;
	v30 =	vadd.f32 v46, v37;
	v37 =	vld [tilespmem:s4+$0x10]  }
0xa2: {  	v55 =	vmul.f32 v36, v36;
	v49 =	vadd.f32 v25, v29;
	v46 =	vld [tilespmem:s28+$0x10];
	v53 =	vadd.f32 v24, v56  }
0xa3: {  	v54 =	vld [tilespmem:s4+$0x20];
	v60 =	vperm.xlane v39, v1;
	v24 =	vmul.f32 v33, v45;
	v45 =	vadd.f32 v28, v57  }
0xa4: {  	v28 =	vmul.f32 v27, v27;
	v51 =	vadd.f32 v30, v27;
	v62 =	vmul.f32 v30, v30  }
0xa5: {  	v48 =	vld [tilespmem:s28+$0xFFFFFF00];
	v33 =	vmul.f32 v33, v35;
	v38 =	vadd.f32 v63, v38;
	v39 =	vadd.f32 v60, v39  }
0xa6: {  	v56 =	vld [tilespmem:s4+$0xFFFFFF00];
	v61 =	vperm.xlane v53, v2;
	v52 =	vadd.f32 v62, v28;
	v28 =	vadd.f32 v59, v58  }
0xa7: {  	v60 =	vmul.f32 v38, v38;
	v57 =	vadd.f32 v38, v36;
	v35 =	vadd.f32 v46, v37  }
0xa8: {  	v44 =	vld [tilespmem:s4+$0x30];
	v37 =	vadd.f32 v34, v54;
	v47 =	vadd.f32 v53, v61;
	v63 =	vperm.xlane v39, v2  }
0xa9: {  	v14 =	vmul.f32 v14, v6;
	v62 =	vld [tilespmem:s28+$0x30];
	v50 =	vadd.f32 v60, v55;
	v51 =	vadd.f32 v57, v51  }
0xaa: {  	v57 =	vmul.f32 v28, v28;
	v39 =	vadd.f32 v63, v39;
	v61 =	vperm.xlane v47, v3  }
0xab: {  	v59 =	vmul.f32 v35, v35;
	v48 =	vadd.f32 v48, v56;
	v55 =	vmul.f32 v12, v6  }
0xac: {  	v50 =	vadd.f32 v50, v52;
	v47 =	vadd.f32 v47, v61;
	v63 =	vperm.xlane v39, v3  }
0xad: {  	v52 =	vadd.f32 v35, v28;
	v53 =	vadd.f32 v59, v57;
	v56 =	vmul.f32 v48, v48  }
0xae: {  	v34 =	vmul.f32 $1.562500000e-02, v47;
	v58 =	vadd.f32 v63, v39;
	v39 =	vadd.f32 v62, v44  }
0xaf: {  	v55 =	vadd.f32 v55, v10;
	v47 =	vmul.f32 v32, v32;
	v62 =	vadd.f32 v32, v48  }
0xb0: {  	v60 =	vmul.f32 $1.562500000e-02, v58;
	v61 =	vmul.f32 v34, v34;
	v63 =	vadd.f32 v39, v37  }
0xb1: {  	v59 =	vmul.f32 v37, v37;
	v49 =	vadd.f32 v49, v62;
	v47 =	vadd.f32 v47, v56  }
0xb2: {  	v56 =	vmul.f32 v22, v5;
	v44 =	vsub.f32 v60, v61;
	v60 =	vmul.f32 v39, v39  }
0xb3: {  	v52 =	vadd.f32 v63, v52;
	v61 =	vperm.xlane v51, v0;
	v62 =	vperm.xlane v49, v0  }
0xb4: {  	v63 =	vperm.xlane v50, v0;
	v45 =	vadd.f32 v45, v47;
	v46 =	vadd.f32 v60, v59  }
0xb5: {  	v44 =	vadd.f32 $9.999999740e-06, v44;
	v47 =	vadd.f32 v51, v61;
	v57 =	vperm.xlane v52, v0  }
0xb6: {  	v49 =	vadd.f32 v49, v62;
	v59 =	vperm.xlane v45, v0;
	v50 =	vadd.f32 v63, v50  }
0xb7: {  	v46 =	vadd.f32 v46, v53;
	v58 =	vshra.s32 v44, $0x1;
	v44 =	vmul.f32 $5.000000000e-01, v44  }
0xb8: {  	v51 =	vadd.f32 v52, v57;
	v60 =	vperm.xlane v49, v1;
	v45 =	vadd.f32 v59, v45  }
0xb9: {  	v63 =	vperm.xlane v47, v1;
	v59 =	vperm.xlane v50, v1;
	v53 =	vsub.s32 $0x5F3759DF, v58  }
0xba: {  	v61 =	vperm.xlane v46, v0;
	v62 =	vmul.f32 v53, v44;
	v49 =	vadd.f32 v49, v60  }
0xbb: {  	v57 =	vperm.xlane v51, v1;
	v47 =	vadd.f32 v47, v63;
	v58 =	vperm.xlane v45, v1  }
0xbc: {  	v50 =	vadd.f32 v59, v50;
	v46 =	vadd.f32 v61, v46;
	v54 =	vmul.f32 v53, v62  }
0xbd: {  	v51 =	vadd.f32 v51, v57;
	v61 =	vperm.xlane v49, v2;
	v62 =	vperm.xlane v47, v2  }
0xbe: {  	v59 =	vperm.xlane v50, v2;
	v57 =	vmul.f32 v43, v7;
	v54 =	vsub.f32 $1.500000000e+00, v54  }
0xbf: {  	v45 =	vadd.f32 v58, v45;
	v60 =	vperm.xlane v46, v1;
	v63 =	vperm.xlane v51, v2  }
0xc0: {  	v22 =	vadd.f32 v49, v61;
	v47 =	vadd.f32 v47, v62;
	v53 =	vmul.f32 v53, v54  }
0xc1: {  	v58 =	vperm.xlane v45, v2;
	v50 =	vadd.f32 v59, v50;
	v46 =	vadd.f32 v60, v46  }
0xc2: {  	v51 =	vadd.f32 v51, v63;
	v12 =	vperm.xlane v22, v3;
	v60 =	vmul.f32 v53, v44  }
0xc3: {  	v45 =	vadd.f32 v58, v45;
	v63 =	vperm.xlane v47, v3;
	v61 =	vperm.xlane v46, v2  }
0xc4: {  	v22 =	vadd.f32 v22, v12;
	v12 =	vmul.f32 v20, v4;
	v62 =	vmul.f32 v60, v53  }
0xc5: {  	v46 =	vadd.f32 v61, v46;
	v60 =	vperm.xlane v45, v3;
	v61 =	vperm.xlane v51, v3  }
0xc6: {  	v20 =	vadd.f32 v47, v63;
	v47 =	vmul.f32 $1.562500000e-02, v22;
	v59 =	vsub.f32 $1.500000000e+00, v62  }
0xc7: {  	v43 =	vadd.f32 v60, v45;
	v62 =	vperm.xlane v50, v3;
	v22 =	vadd.f32 v51, v61  }
0xc8: {  	v49 =	vadd.f32 v26, v11;
	v54 =	vmul.f32 v41, v6;
	v26 =	vmul.f32 v59, v53  }
0xc9: {  	v43 =	vmul.f32 $1.562500000e-02, v43;
	v53 =	vadd.f32 v62, v50;
	v50 =	vmul.f32 $1.562500000e-02, v22  }
0xca: {  	v52 =	vadd.f32 v31, v8;
	v22 =	vmul.f32 v47, v47;
	v31 =	vmul.f32 v26, v44  }
0xcb: {  	v19 =	vsub.f32 v19, v34;
	v63 =	vperm.xlane v46, v3;
	v51 =	vmul.f32 $1.562500000e-02, v20  }
0xcc: {  	v20 =	vsub.f32 v48, v47;
	v43 =	vsub.f32 v43, v22;
	v31 =	vmul.f32 v31, v26  }
0xcd: {  	v41 =	vadd.f32 v63, v46;
	v58 =	vmul.f32 v51, v51;
	v44 =	vmul.f32 $1.562500000e-02, v53  }
0xce: {  	v15 =	vmul.f32 v15, v7;
	v43 =	vadd.f32 $9.999999740e-06, v43;
	v31 =	vsub.f32 $1.500000000e+00, v31  }
0xcf: {  	v59 =	vmul.f32 $1.562500000e-02, v41;
	v60 =	vmul.f32 v50, v50;
	v44 =	vsub.f32 v44, v58  }
0xd0: {  	v48 =	vmul.f32 v31, v26;
	v26 =	vshra.s32 v43, $0x1;
	v43 =	vmul.f32 $5.000000000e-01, v43  }
0xd1: {  	v22 =	vsub.f32 v32, v47;
	v32 =	vsub.f32 v59, v60;
	v41 =	vsub.s32 $0x5F3759DF, v26  }
0xd2: {  	v30 =	vsub.f32 v30, v51;
	v31 =	vadd.f32 $9.999999740e-06, v44;
	v61 =	vmul.f32 v41, v43  }
0xd3: {  	v13 =	vmul.f32 v13, v5;
	v26 =	vsub.f32 v29, v47;
	v29 =	vadd.f32 $9.999999740e-06, v32  }
0xd4: {  	v62 =	vshra.s32 v31, $0x1;
	v44 =	vmul.f32 $5.000000000e-01, v31;
	v63 =	vmul.f32 v41, v61  }
0xd5: {  	v31 =	vsub.f32 v25, v47;
	v25 =	vshra.s32 v29, $0x1;
	v60 =	vsub.s32 $0x5F3759DF, v62  }
0xd6: {  	v46 =	vmul.f32 $5.000000000e-01, v29;
	v58 =	vsub.s32 $0x5F3759DF, v25;
	v25 =	vsub.f32 $1.500000000e+00, v63  }
0xd7: {  	v32 =	vsub.f32 v27, v51;
	v27 =	vsub.f32 v38, v51;
	v61 =	vmul.f32 v60, v44  }
0xd8: {  	v29 =	vsub.f32 v36, v51;
	v51 =	vmul.f32 v41, v25;
	v25 =	vmul.f32 v58, v46  }
0xd9: {  	v18 =	vsub.f32 v18, v34;
	v45 =	vmul.f32 v24, v6;
	v19 =	vmul.f32 v48, v19  }
0xda: {  	v16 =	vsub.f32 v16, v34;
	v36 =	vmul.f32 v60, v61;
	v25 =	vmul.f32 v58, v25  }
0xdb: {  	v47 =	vmul.f32 v33, v7;
	v63 =	vadd.f32 v42, v8;
	v42 =	vmul.f32 v23, v5  }
0xdc: {  	v41 =	vmul.f32 v21, v4;
	v21 =	vsub.f32 $1.500000000e+00, v36;
	v23 =	vsub.f32 $1.500000000e+00, v25  }
0xdd: {  	v17 =	vsub.f32 v17, v34;
	v18 =	vmul.f32 v48, v18;
	v34 =	vmul.f32 v48, v16  }
0xde: {  	v24 =	vsub.f32 v37, v50;
	v36 =	vmul.f32 v60, v21;
	v23 =	vmul.f32 v58, v23  }
0xdf: {  	s31 =	simm.s32 $0x14D00;
	v33 =	vsub.f32 v28, v50;
	v19 =	vmul.f32 v19, v7;
	v21 =	vmul.f32 v51, v43  }
0xe0: {  	[tilespmem:s31+$0xA0] =	vst v55;
	v28 =	vsub.f32 v39, v50;
	v59 =	vmul.f32 v36, v44;
	v60 =	vmul.f32 v23, v46  }
0xe1: {  	[tilespmem:s31+$0x80] =	vst v52;
	v62 =	vadd.f32 v56, v9;
	v19 =	vadd.f32 v19, v11;
	v21 =	vmul.f32 v21, v51  }
0xe2: {  	[tilespmem:s31+$0xB0] =	vst v49;
	v25 =	vsub.f32 v35, v50;
	v35 =	vmul.f32 v59, v36;
	v37 =	vmul.f32 v60, v23  }
0xe3: {  	[tilespmem:s31+$0x90] =	vst v62;
	v62 =	vmul.f32 v48, v17;
	v61 =	vadd.f32 v40, v9;
	v21 =	vsub.f32 $1.500000000e+00, v21  }
0xe4: {  	s29 =	simm.s32 $0x14F00;
	v17 =	vmul.f32 v18, v4;
	[tilespmem:s31+$0xFFFFFF00] =	vst v63;
	v63 =	vsub.f32 $1.500000000e+00, v35;
	v37 =	vsub.f32 $1.500000000e+00, v37  }
0xe5: {  	v16 =	vmul.f32 v62, v5;
	[tilespmem:s29+$0xB0] =	vst v19;
	v21 =	vmul.f32 v21, v51;
	v35 =	vadd.f32 v54, v10  }
0xe6: {  	s30 =	sshll.u32 s26, $0x1;
	s0 =	simm.s32 $0x4;
	s4 =	simm.s32 $0x2500;
	[tilespmem:s31+$0xFFFFFF10] =	vst v61;
	v19 =	vmul.f32 v63, v36;
	v18 =	vmul.f32 v37, v23;
	v23 =	vadd.f32 v57, v11  }
.LBB2_3:
0xe7: {  	v36 =	vld [tilespmem:s4+$0x80];
	v37 =	vmul.f32 v21, v43;
	v34 =	vmul.f32 v34, v6;
	s28 =	sadd.s32 $0x200, s28;
	[tilespmem:s31+$0xFFFFFF20] =	vst v35;
	v12 =	vadd.f32 v12, v8  }
0xe8: {  	v13 =	vadd.f32 v13, v9;
	v35 =	vld [tilespmem:s28+$0x80];
	v38 =	vmul.f32 v19, v44;
	v39 =	vmul.f32 v18, v46;
	[tilespmem:s31+$0xFFFFFF30] =	vst v23  }
0xe9: {  	v23 =	vld [tilespmem:s4+$0x90];
	v37 =	vmul.f32 v37, v21;
	[tilespmem:s31+$0xFFFFFF80] =	vst v12;
	v12 =	vadd.f32 v14, v10;
	v14 =	vadd.f32 v15, v11  }
0xea: {  	v15 =	vld [tilespmem:s28+$0x90];
	v38 =	vmul.f32 v38, v19;
	v39 =	vmul.f32 v39, v18;
	[tilespmem:s31+$0xFFFFFF90] =	vst v13;
	v13 =	vadd.f32 v41, v8  }
0xeb: {  	v40 =	vld [tilespmem:s4+$0xA0];
	v37 =	vsub.f32 $1.500000000e+00, v37;
	[tilespmem:s31+$0xFFFFFFA0] =	vst v12;
	v12 =	vadd.f32 v42, v9  }
0xec: {  	v42 =	vld [tilespmem:s28+$0xA0];
	v38 =	vsub.f32 $1.500000000e+00, v38;
	v39 =	vsub.f32 $1.500000000e+00, v39;
	[tilespmem:s31+$0xFFFFFFB0] =	vst v14  }
0xed: {  	v14 =	vld [tilespmem:s4+$0xB0];
	v21 =	vmul.f32 v37, v21;
	[tilespmem:s31+$0x0] =	vst v13;
	v13 =	vadd.f32 v45, v10;
	v37 =	vadd.f32 v47, v11  }
0xee: {  	v17 =	vadd.f32 v17, v8;
	v43 =	vld [tilespmem:s28+$0xB0];
	v19 =	vmul.f32 v38, v19;
	v38 =	vmul.f32 v39, v18;
	[tilespmem:s31+$0x10] =	vst v12  }
0xef: {  	s0 =	sadd.s32 $0x4, s0;
	v41 =	vld [tilespmem:s28+$0xFFFFFF00];
	v12 =	vmul.f32 v21, v20;
	v20 =	vmul.f32 v21, v22;
	v22 =	vadd.f32 v16, v9;
	[tilespmem:s31+$0x20] =	vst v13  }
0xf0: {  	p0 =	slt.u32 s0, $0xC4;
	v39 =	vmul.f32 v21, v26;
	v44 =	vmul.f32 v21, v31;
	v21 =	vadd.f32 v34, v10;
	v13 =	vld [tilespmem:s4+$0xFFFFFF10];
	[tilespmem:s31+$0x30] =	vst v37;
	s31 =	smov.u32 s29  }
0xf1: {  	v32 =	vmul.f32 v19, v32;
	v37 =	vmul.f32 v19, v30;
	v31 =	vld [tilespmem:s28+$0xFFFFFF10];
	[tilespmem:s29+$0x80] =	vst v17  }
0xf2: {  	v18 =	vadd.f32 v35, v36;
	v16 =	vadd.f32 v15, v23;
	v15 =	vmul.f32 v19, v29;
	v30 =	vld [tilespmem:s4+$0xFFFFFF20];
	[tilespmem:s29+$0x90] =	vst v22  }
0xf3: {  	v17 =	vadd.f32 v42, v40;
	v40 =	vmul.f32 v19, v27;
	v23 =	vld [tilespmem:s28+$0xFFFFFF20];
	v26 =	vadd.f32 v43, v14;
	[tilespmem:s29+$0xA0] =	vst v21  }
0xf4: {  	v29 =	vmul.f32 v38, v33;
	v19 =	vadd.f32 v16, v18;
	v27 =	vmul.f32 v38, v25;
	v14 =	vld [tilespmem:s4+$0xFFFFFF30]  }
0xf5: {  	v34 =	vmul.f32 v18, v18;
	v35 =	vmul.f32 v16, v16;
	v33 =	vld [tilespmem:s28+$0xFFFFFF30];
	v21 =	vadd.f32 v26, v17  }
0xf6: {  	v36 =	vmul.f32 v26, v26;
	v22 =	vadd.f32 v31, v13;
	v13 =	vld [tilespmem:s4+$0xFFFFFF80];
	v31 =	vmul.f32 v17, v17  }
0xf7: {  	v25 =	vmul.f32 v38, v24;
	v24 =	vmul.f32 v38, v28;
	v42 =	vld [tilespmem:s28+$0xFFFFFF80];
	v43 =	vadd.f32 v21, v19  }
0xf8: {  	v19 =	vadd.f32 v35, v34;
	v45 =	vmul.f32 v22, v22;
	v38 =	vld [tilespmem:s4+$0xFFFFFF90];
	v34 =	vadd.f32 v36, v31  }
0xf9: {  	v12 =	vmul.f32 v12, v4;
	v21 =	vmul.f32 v20, v5;
	v31 =	vadd.f32 v23, v30;
	v35 =	vld [tilespmem:s28+$0xFFFFFF90]  }
0xfa: {  	v23 =	vperm.xlane v43, v0;
	v28 =	vadd.f32 v33, v14;
	v14 =	vld [tilespmem:s4+$0xFFFFFFA0];
	v20 =	vadd.f32 v34, v19  }
0xfb: {  	v12 =	vadd.f32 v12, v8;
	v34 =	vmul.f32 v31, v31;
	v19 =	vmul.f32 v39, v6;
	v36 =	vld [tilespmem:s28+$0xFFFFFFA0]  }
0xfc: {  	v30 =	vadd.f32 v42, v13;
	v39 =	vld [tilespmem:s4+$0xFFFFFFB0];
	v13 =	vadd.f32 v43, v23;
	v42 =	vperm.xlane v20, v0  }
0xfd: {  	v43 =	vadd.f32 v28, v31;
	v46 =	vmul.f32 v28, v28;
	v23 =	vmul.f32 v44, v7;
	v47 =	vld [tilespmem:s28+$0xFFFFFFB0];
	[tilespmem:s29+$0xFFFFFF00] =	vst v12  }
0xfe: {  	v33 =	vadd.f32 v35, v38;
	v38 =	vld [tilespmem:s4+$0x0];
	v35 =	vperm.xlane v13, v1;
	v20 =	vadd.f32 v42, v20  }
0xff: {  	v12 =	vmul.f32 v32, v4;
	v42 =	vadd.f32 v46, v34;
	v44 =	vmul.f32 v30, v30;
	v46 =	vld [tilespmem:s28+$0x0]  }
0x100: {  	v34 =	vadd.f32 v36, v14;
	v32 =	vld [tilespmem:s4+$0x10];
	v48 =	vadd.f32 v13, v35;
	v14 =	vperm.xlane v20, v1  }
0x101: {  	v49 =	vadd.f32 v33, v30;
	v36 =	vmul.f32 v33, v33;
	v13 =	vmul.f32 v37, v5;
	v50 =	vld [tilespmem:s28+$0x10]  }
0x102: {  	v35 =	vadd.f32 v47, v39;
	v39 =	vld [tilespmem:s4+$0x20];
	v37 =	vperm.xlane v48, v2;
	v20 =	vadd.f32 v14, v20  }
0x103: {  	v44 =	vadd.f32 v36, v44;
	v47 =	vmul.f32 v34, v34;
	v14 =	vmul.f32 v15, v6;
	v51 =	vld [tilespmem:s28+$0x20]  }
0x104: {  	v36 =	vadd.f32 v46, v38;
	v38 =	vld [tilespmem:s4+$0x30];
	v46 =	vadd.f32 v48, v37;
	v48 =	vperm.xlane v20, v2  }
0x105: {  	v15 =	vmul.f32 v40, v7;
	v52 =	vadd.f32 v35, v34;
	v53 =	vmul.f32 v35, v35;
	v54 =	vld [tilespmem:s28+$0x30]  }
0x106: {  	v55 =	vld [tilespmem:s4+$0xFFFFFF00];
	v37 =	vadd.f32 v50, v32;
	v32 =	vperm.xlane v46, v3;
	v20 =	vadd.f32 v48, v20  }
0x107: {  	v48 =	vadd.f32 v52, v49;
	v40 =	vadd.f32 v53, v47;
	v47 =	vmul.f32 v36, v36  }
0x108: {  	v39 =	vadd.f32 v51, v39;
	v32 =	vadd.f32 v46, v32;
	v46 =	vperm.xlane v20, v3  }
0x109: {  	v44 =	vadd.f32 v40, v44;
	v49 =	vadd.f32 v37, v36;
	v50 =	vmul.f32 v37, v37  }
0x10a: {  	v40 =	vadd.f32 v54, v38;
	v38 =	vmul.f32 $1.562500000e-02, v32;
	v20 =	vadd.f32 v46, v20  }
0x10b: {  	v46 =	vmul.f32 v39, v39;
	v32 =	vadd.f32 v41, v55;
	v41 =	vadd.f32 v50, v47  }
0x10c: {  	v47 =	vadd.f32 v40, v39;
	v20 =	vmul.f32 $1.562500000e-02, v20;
	v50 =	vmul.f32 v38, v38  }
0x10d: {  	v53 =	vmul.f32 v40, v40;
	v51 =	vadd.f32 v22, v32;
	v52 =	vmul.f32 v32, v32  }
0x10e: {  	v54 =	vperm.xlane v48, v0;
	v47 =	vadd.f32 v47, v49;
	v20 =	vsub.f32 v20, v50  }
0x10f: {  	v49 =	vperm.xlane v44, v0;
	v43 =	vadd.f32 v43, v51;
	v45 =	vadd.f32 v45, v52  }
0x110: {  	v46 =	vadd.f32 v53, v46;
	v50 =	vperm.xlane v47, v0;
	v20 =	vadd.f32 $9.999999740e-06, v20  }
0x111: {  	v48 =	vadd.f32 v48, v54;
	v42 =	vadd.f32 v42, v45;
	v45 =	vperm.xlane v43, v0  }
0x112: {  	v41 =	vadd.f32 v46, v41;
	v46 =	vshra.s32 v20, $0x1;
	v20 =	vmul.f32 $5.000000000e-01, v20  }
0x113: {  	v43 =	vadd.f32 v43, v45;
	v45 =	vperm.xlane v42, v0;
	v46 =	vsub.s32 $0x5F3759DF, v46  }
0x114: {  	v47 =	vadd.f32 v47, v50;
	v50 =	vperm.xlane v41, v0;
	v51 =	vmul.f32 v46, v20  }
0x115: {  	v52 =	vperm.xlane v43, v1;
	v42 =	vadd.f32 v45, v42;
	v45 =	vperm.xlane v48, v1  }
0x116: {  	v44 =	vadd.f32 v49, v44;
	v49 =	vperm.xlane v47, v1;
	v51 =	vmul.f32 v46, v51  }
0x117: {  	v41 =	vadd.f32 v50, v41;
	v43 =	vadd.f32 v43, v52;
	v52 =	vperm.xlane v42, v1  }
0x118: {  	v45 =	vadd.f32 v48, v45;
	v48 =	vperm.xlane v44, v1;
	v50 =	vsub.f32 $1.500000000e+00, v51  }
0x119: {  	v47 =	vadd.f32 v47, v49;
	v49 =	vperm.xlane v41, v1;
	v51 =	vperm.xlane v43, v2  }
0x11a: {  	v42 =	vadd.f32 v52, v42;
	v52 =	vperm.xlane v45, v2;
	v46 =	vmul.f32 v46, v50  }
0x11b: {  	v41 =	vadd.f32 v49, v41;
	v44 =	vadd.f32 v48, v44;
	v48 =	vperm.xlane v47, v2  }
0x11c: {  	v43 =	vadd.f32 v43, v51;
	v49 =	vperm.xlane v42, v2;
	v50 =	vmul.f32 v46, v20  }
0x11d: {  	v45 =	vadd.f32 v45, v52;
	v51 =	vperm.xlane v44, v2;
	v47 =	vadd.f32 v47, v48  }
0x11e: {  	v48 =	vperm.xlane v41, v2;
	v42 =	vadd.f32 v49, v42;
	v49 =	vmul.f32 v50, v46  }
0x11f: {  	v52 =	vperm.xlane v45, v3;
	v44 =	vadd.f32 v51, v44;
	v50 =	vperm.xlane v43, v3  }
0x120: {  	v51 =	vperm.xlane v47, v3;
	v41 =	vadd.f32 v48, v41;
	v48 =	vsub.f32 $1.500000000e+00, v49  }
0x121: {  	v45 =	vadd.f32 v45, v52;
	v43 =	vadd.f32 v43, v50;
	v49 =	vperm.xlane v42, v3  }
0x122: {  	v47 =	vadd.f32 v47, v51;
	v50 =	vperm.xlane v44, v3;
	v46 =	vmul.f32 v48, v46  }
0x123: {  	v48 =	vmul.f32 $1.562500000e-02, v43;
	v42 =	vadd.f32 v49, v42;
	v43 =	vperm.xlane v41, v3  }
0x124: {  	v45 =	vmul.f32 $1.562500000e-02, v45;
	v44 =	vadd.f32 v50, v44;
	v49 =	vmul.f32 v46, v20  }
0x125: {  	v50 =	vmul.f32 $1.562500000e-02, v47;
	v42 =	vmul.f32 $1.562500000e-02, v42;
	v41 =	vadd.f32 v43, v41  }
0x126: {  	v43 =	vmul.f32 v48, v48;
	v20 =	vsub.f32 v32, v48;
	v32 =	vmul.f32 v49, v46  }
0x127: {  	v47 =	vmul.f32 v45, v45;
	v22 =	vsub.f32 v22, v48;
	v44 =	vmul.f32 $1.562500000e-02, v44  }
0x128: {  	v51 =	vmul.f32 v50, v50;
	v49 =	vmul.f32 $1.562500000e-02, v41;
	v32 =	vsub.f32 $1.500000000e+00, v32  }
0x129: {  	v42 =	vsub.f32 v42, v43;
	v43 =	vsub.f32 v44, v47;
	v41 =	vmul.f32 v29, v4  }
0x12a: {  	v29 =	vsub.f32 v49, v51;
	v49 =	vmul.f32 v32, v46;
	v32 =	vsub.f32 v26, v38  }
0x12b: {  	v44 =	vadd.f32 $9.999999740e-06, v42;
	v42 =	vmul.f32 v27, v5;
	v46 =	vadd.f32 $9.999999740e-06, v43  }
0x12c: {  	v26 =	vsub.f32 v31, v48;
	v27 =	vadd.f32 $9.999999740e-06, v29;
	v29 =	vmul.f32 v49, v32  }
0x12d: {  	v31 =	vshra.s32 v44, $0x1;
	v43 =	vmul.f32 $5.000000000e-01, v44;
	v32 =	vshra.s32 v46, $0x1  }
0x12e: {  	v44 =	vmul.f32 $5.000000000e-01, v46;
	v47 =	vshra.s32 v27, $0x1;
	v29 =	vmul.f32 v29, v7  }
0x12f: {  	v51 =	vsub.s32 $0x5F3759DF, v31;
	v46 =	vmul.f32 $5.000000000e-01, v27;
	v52 =	vsub.s32 $0x5F3759DF, v32  }
0x130: {  	v27 =	vmul.f32 v51, v43;
	v53 =	vsub.s32 $0x5F3759DF, v47;
	v29 =	vadd.f32 v29, v11  }
0x131: {  	s29 =	sadd.s32 $0x200, s29;
	v31 =	vsub.f32 v28, v48;
	v28 =	vmul.f32 v52, v44;
	v47 =	vmul.f32 v53, v46  }
0x132: {  	v32 =	vsub.f32 v30, v45;
	v30 =	vsub.f32 v33, v45;
	v27 =	vmul.f32 v51, v27;
	[tilespmem:s29+$0xB0] =	vst v29  }
0x133: {  	v28 =	vmul.f32 v52, v28;
	v33 =	vmul.f32 v53, v47;
	v29 =	vsub.f32 v34, v45  }
0x134: {  	v34 =	vsub.f32 $1.500000000e+00, v27;
	v27 =	vsub.f32 v35, v45;
	v45 =	vmul.f32 v25, v6  }
0x135: {  	v47 =	vmul.f32 v24, v7;
	v28 =	vsub.f32 $1.500000000e+00, v28;
	v35 =	vsub.f32 $1.500000000e+00, v33  }
0x136: {  	v33 =	vsub.f32 v36, v50;
	v25 =	vsub.f32 v37, v50;
	v48 =	vmul.f32 v51, v34  }
0x137: {  	v24 =	vsub.f32 v39, v50;
	v36 =	vmul.f32 v52, v28;
	v37 =	vmul.f32 v53, v35  }
0x138: {  	v18 =	vsub.f32 v18, v38;
	v28 =	vsub.f32 v40, v50;
	v34 =	vmul.f32 v48, v43  }
0x139: {  	v16 =	vsub.f32 v16, v38;
	v35 =	vmul.f32 v36, v44;
	v39 =	vmul.f32 v37, v46  }
0x13a: {  	v17 =	vsub.f32 v17, v38;
	v18 =	vmul.f32 v49, v18;
	v34 =	vmul.f32 v34, v48  }
.Ltmp0:
0x13b: {  	v21 =	vadd.f32 v21, v9;
	v35 =	vmul.f32 v35, v36;
	v38 =	vmul.f32 v39, v37;
	(pc) =	sbr.rel @p0 .LBB2_3-.Ltmp0, $4  }
0x13c: {  	v16 =	vmul.f32 v49, v16;
	v39 =	vsub.f32 $1.500000000e+00, v34;
	v34 =	vmul.f32 v49, v17  }
0x13d: {  	v40 =	vsub.f32 $1.500000000e+00, v35;
	v38 =	vsub.f32 $1.500000000e+00, v38;
	v17 =	vmul.f32 v18, v4;
	[tilespmem:s31+$0xFFFFFF10] =	vst v21  }
0x13e: {  	v16 =	vmul.f32 v16, v5;
	v35 =	vadd.f32 v19, v10;
	v21 =	vmul.f32 v39, v48  }
0x13f: {  	v23 =	vadd.f32 v23, v11;
	s4 =	sadd.s32 $0x200, s4;
	v19 =	vmul.f32 v40, v36;
	v18 =	vmul.f32 v38, v37  }
0x140: {  	v36 =	vmul.f32 v21, v43  }
0x141: {  	[tilespmem:s31+$0xFFFFFF20] =	vst v35;
	v12 =	vadd.f32 v12, v8;
	v13 =	vadd.f32 v13, v9;
	v62 =	vmul.f32 v19, v44  }
0x142: {  	v40 =	vadd.f32 v41, v8;
	[tilespmem:s31+$0xFFFFFF30] =	vst v23;
	v63 =	vmul.f32 v18, v46;
	v23 =	vmul.f32 v36, v21  }
0x143: {  	[tilespmem:s31+$0xFFFFFF80] =	vst v12;
	v12 =	vadd.f32 v14, v10;
	v14 =	vadd.f32 v15, v11;
	v15 =	vmul.f32 v62, v19  }
0x144: {  	[tilespmem:s31+$0xFFFFFF90] =	vst v13;
	v13 =	vsub.f32 $1.500000000e+00, v23;
	v23 =	vmul.f32 v63, v18  }
0x145: {  	[tilespmem:s31+$0x0] =	vst v40;
	v15 =	vsub.f32 $1.500000000e+00, v15  }
0x146: {  	[tilespmem:s31+$0xFFFFFFA0] =	vst v12;
	v12 =	vadd.f32 v42, v9;
	v13 =	vmul.f32 v13, v21;
	v21 =	vsub.f32 $1.500000000e+00, v23  }
0x147: {  	v41 =	vadd.f32 v47, v11;
	[tilespmem:s31+$0xFFFFFFB0] =	vst v14;
	v14 =	vmul.f32 v34, v6;
	v15 =	vmul.f32 v15, v19  }
0x148: {  	v17 =	vadd.f32 v17, v8;
	[tilespmem:s31+$0x10] =	vst v12;
	v12 =	vmul.f32 v13, v20;
	v18 =	vmul.f32 v21, v18  }
0x149: {  	v16 =	vadd.f32 v16, v9;
	[tilespmem:s31+$0x30] =	vst v41;
	v19 =	vmul.f32 v13, v22;
	v20 =	vmul.f32 v13, v26  }
0x14a: {  	[tilespmem:s29+$0x80] =	vst v17;
	v23 =	vadd.f32 v45, v10;
	v13 =	vmul.f32 v13, v31;
	v12 =	vmul.f32 v12, v4  }
0x14b: {  	[tilespmem:s29+$0x90] =	vst v16;
	v14 =	vadd.f32 v14, v10;
	v17 =	vmul.f32 v19, v5;
	v19 =	vmul.f32 v15, v32  }
0x14c: {  	[tilespmem:s31+$0x20] =	vst v23;
	v16 =	vmul.f32 v20, v6;
	v20 =	vmul.f32 v15, v30;
	v12 =	vadd.f32 v12, v8  }
0x14d: {  	[tilespmem:s29+$0xA0] =	vst v14;
	v13 =	vmul.f32 v13, v7;
	v14 =	vadd.f32 v17, v9;
	v17 =	vmul.f32 v15, v29  }
0x14e: {  	v16 =	vadd.f32 v16, v10;
	v15 =	vmul.f32 v15, v27;
	[tilespmem:s29+$0xFFFFFF00] =	vst v12;
	v12 =	vmul.f32 v19, v4  }
0x14f: {  	v13 =	vadd.f32 v13, v11;
	v19 =	vmul.f32 v20, v5;
	[tilespmem:s29+$0xFFFFFF10] =	vst v14  }
0x150: {  	v14 =	vmul.f32 v18, v33;
	[tilespmem:s29+$0xFFFFFF20] =	vst v16;
	v15 =	vmul.f32 v15, v7;
	v12 =	vadd.f32 v12, v8  }
0x151: {  	v17 =	vmul.f32 v17, v6;
	v16 =	vmul.f32 v18, v25;
	[tilespmem:s29+$0xFFFFFF30] =	vst v13;
	v13 =	vadd.f32 v19, v9  }
0x152: {  	v19 =	vmul.f32 v18, v24;
	v14 =	vmul.f32 v14, v4;
	v15 =	vadd.f32 v15, v11;
	[tilespmem:s29+$0xFFFFFF80] =	vst v12  }
0x153: {  	v16 =	vmul.f32 v16, v5;
	v12 =	vadd.f32 v17, v10;
	v17 =	vmul.f32 v18, v28;
	[tilespmem:s29+$0xFFFFFF90] =	vst v13  }
0x154: {  	v13 =	vmul.f32 v19, v6;
	v14 =	vadd.f32 v14, v8;
	[tilespmem:s29+$0xFFFFFFB0] =	vst v15  }
0x155: {  	v16 =	vadd.f32 v16, v9;
	[tilespmem:s29+$0xFFFFFFA0] =	vst v12;
	v12 =	vmul.f32 v17, v7  }
0x156: {  	s0 =	sadd.s32 s6, s30;
	[tilespmem:s29+$0x0] =	vst v14;
	v13 =	vadd.f32 v13, v10  }
0x157: {  	s0 =	smul.u32 $0xC80, s0;
	[tilespmem:s29+$0x10] =	vst v16;
	v12 =	vadd.f32 v12, v11  }
0x158: {  	[tilespmem:s29+$0x20] =	vst v13  }
0x159: {  	p0 =	seq.s32 s26, $0xF;
	s0 =	sadd.s32 s8, s0;
	[tilespmem:s29+$0x30] =	vst v12  }
0x15a: {  	[hbm4b:s0+s3] =	stream.linear.scatter [tilespmem:s22], [sflag:$0x2], $0x6400, $0x38;
	[tilespmem:$0x1B100] =	vst v63  }
0x15b: {  	s0 =	sshll.u32 @!p0 s26, $0x9  }
0x15c: {  	s0 =	sand.u32 @!p0 $0x3FFFFE00, s0  }
0x15d: {  	s28 =	simm.s32 @!p0 $0x64;
	s29 =	simm.s32 @!p0 $0x2000;
	s4 =	sadd.s32 @!p0 $0x200, s0  }
0x15e: {  	[tilespmem:s29], [sflag:$0x1] =	stream.indirect.gather @!p0 [hbm4b:s5+s28], $0x80, s4, s28, $0xb8;
	[tilespmem:$0x1B100] =	vst v63  }
0x15f: {  	s0 =	sadd.s32 @!p0 $0x280, s0;
	s4 =	simm.s32 @!p0 $0x5200  }
0x160: {  	[tilespmem:s4], [sflag:$0x1] =	stream.indirect.gather @!p0 [hbm4b:s5+s28], $0x80, s0, s28, $0xb8;
	[tilespmem:$0x1B100] =	vst v63  }
0x161: {  	_ =	swait.ge [sflag:s21], $0x3200  }
0x162: {  	[sflag:s21] =	ssyncset.done $0x0  }
0x163: {  	[sflag:s21] =	ssyncadd.s32 $0xFFFFCE00  }
0x164: {  	_ =	swait.ge [sflag:s21], $0x3200  }
0x165: {  	[sflag:s21] =	ssyncset.done $0x0  }
0x166: {  	[sflag:s21] =	ssyncadd.s32 $0xFFFFCE00  }
0x167: {  	_ =	swait.ge [sflag:s23], $0x6400  }
0x168: {  	[sflag:s23] =	ssyncset.done $0x0  }
0x169: {  	s28 =	simm.s32 $0x0;
	[sflag:s23] =	ssyncadd.s32 $0xFFFF9C00  }
0x16a: {  	v12 =	vld [tilespmem:s28+$0x8580]  }
0x16b: {  	v13 =	vld [tilespmem:s28+$0xE980]  }
0x16c: {  	v14 =	vld [tilespmem:s28+$0x8590]  }
0x16d: {  	v16 =	vld [tilespmem:s28+$0xE990]  }
0x16e: {  	v17 =	vld [tilespmem:s28+$0x85A0]  }
0x16f: {  	v18 =	vld [tilespmem:s28+$0xE9A0]  }
0x170: {  	v19 =	vld [tilespmem:s28+$0x85B0]  }
0x171: {  	v20 =	vld [tilespmem:s28+$0xE9B0]  }
0x172: {  	v21 =	vld [tilespmem:s28+$0x8400]  }
0x173: {  	v22 =	vld [tilespmem:s28+$0xE800]  }
0x174: {  	v23 =	vld [tilespmem:s28+$0x8410]  }
0x175: {  	v24 =	vld [tilespmem:s28+$0xE810];
	_ =	sdelay $0x1  }
0x176: {  	v25 =	vld [tilespmem:s28+$0x8420];
	v15 =	vadd.f32 v13, v12  }
0x177: {  	v29 =	vld [tilespmem:s28+$0xE830];
	v13 =	vadd.f32 v16, v14;
	v12 =	vadd.f32 v18, v17  }
0x178: {  	v30 =	vld [tilespmem:s28+$0x8480];
	v14 =	vadd.f32 v20, v19;
	v17 =	vadd.f32 v22, v21  }
0x179: {  	v18 =	vld [tilespmem:s28+$0xE820];
	v16 =	vadd.f32 v24, v23;
	v19 =	vadd.f32 v13, v15  }
0x17a: {  	v20 =	vld [tilespmem:s28+$0x8430];
	v26 =	vadd.f32 v14, v12;
	v27 =	vmul.f32 v15, v15;
	v28 =	vmul.f32 v13, v13  }
0x17b: {  	v24 =	vld [tilespmem:s28+$0xE880];
	v21 =	vmul.f32 v12, v12;
	v22 =	vmul.f32 v14, v14  }
0x17c: {  	v31 =	vld [tilespmem:s28+$0x84A0];
	v42 =	vadd.f32 v16, v17;
	v23 =	vadd.f32 v26, v19  }
0x17d: {  	v46 =	vld [tilespmem:s28+$0x8500];
	v19 =	vadd.f32 v28, v27;
	v21 =	vadd.f32 v22, v21  }
0x17e: {  	v22 =	vld [tilespmem:s28+$0x8490];
	v26 =	vmul.f32 v17, v17;
	v27 =	vmul.f32 v16, v16;
	v18 =	vadd.f32 v18, v25  }
0x17f: {  	v25 =	vld [tilespmem:s28+$0xE890];
	v21 =	vadd.f32 v21, v19;
	v28 =	vperm.xlane v23, v0;
	v19 =	vadd.f32 v29, v20  }
0x180: {  	v29 =	vld [tilespmem:s28+$0xE8A0];
	v26 =	vadd.f32 v27, v26;
	v20 =	vadd.f32 v24, v30  }
0x181: {  	v24 =	vld [tilespmem:s28+$0xE8B0];
	v23 =	vadd.f32 v23, v28;
	v27 =	vperm.xlane v21, v0;
	v44 =	vadd.f32 v19, v18  }
0x182: {  	v43 =	vmul.f32 v18, v18;
	v28 =	vld [tilespmem:s28+$0x84B0];
	v30 =	vmul.f32 v19, v19  }
0x183: {  	v47 =	vld [tilespmem:s28+$0xE900];
	v45 =	vperm.xlane v23, v1;
	v27 =	vadd.f32 v27, v21;
	v32 =	vadd.f32 v44, v42  }
0x184: {  	v21 =	vadd.f32 v25, v22;
	v30 =	vadd.f32 v30, v43  }
0x185: {  	v49 =	vld [tilespmem:s28+$0x8510];
	v25 =	vmul.f32 v20, v20;
	v22 =	vadd.f32 v29, v31;
	v23 =	vadd.f32 v23, v45  }
0x186: {  	v37 =	vld [tilespmem:s28+$0xE910];
	v48 =	vperm.xlane v27, v1;
	v29 =	vadd.f32 v21, v20;
	v31 =	vmul.f32 v21, v21  }
0x187: {  	v30 =	vadd.f32 v30, v26;
	v24 =	vadd.f32 v24, v28;
	v38 =	vmul.f32 v22, v22  }
0x188: {  	v50 =	vld [tilespmem:s28+$0x8520];
	v28 =	vadd.f32 v47, v46;
	v26 =	vperm.xlane v23, v2;
	v27 =	vadd.f32 v48, v27  }
0x189: {  	v39 =	vld [tilespmem:s28+$0xE920];
	v31 =	vadd.f32 v31, v25;
	v25 =	vperm.xlane v32, v0;
	v45 =	vperm.xlane v30, v0  }
0x18a: {  	v51 =	vadd.f32 v24, v22;
	v52 =	vmul.f32 v24, v24;
	v23 =	vadd.f32 v23, v26  }
0x18b: {  	v40 =	vld [tilespmem:s28+$0x8530];
	v26 =	vperm.xlane v27, v2;
	v32 =	vadd.f32 v32, v25;
	v25 =	vadd.f32 v37, v49  }
0x18c: {  	v53 =	vld [tilespmem:s28+$0xE930];
	v57 =	vmul.f32 v28, v28;
	v30 =	vadd.f32 v45, v30;
	v41 =	vadd.f32 v51, v29  }
0x18d: {  	v55 =	vadd.f32 v52, v38;
	v54 =	vperm.xlane v23, v3;
	v27 =	vadd.f32 v26, v27  }
0x18e: {  	v26 =	vadd.f32 v39, v50;
	v58 =	vadd.f32 v25, v28;
	v59 =	vmul.f32 v25, v25  }
0x18f: {  	v47 =	vperm.xlane v32, v1;
	v23 =	vadd.f32 v23, v54;
	v56 =	vperm.xlane v27, v3  }
0x190: {  	v31 =	vadd.f32 v55, v31;
	v63 =	vperm.xlane v41, v0;
	v60 =	vmul.f32 v26, v26  }
0x191: {  	v29 =	vmul.f32 $1.562500000e-02, v23;
	v23 =	vadd.f32 v56, v27;
	v27 =	vadd.f32 v53, v40  }
0x192: {  	v34 =	vadd.f32 v59, v57;
	v32 =	vadd.f32 v32, v47;
	v46 =	vperm.xlane v31, v0  }
0x193: {  	v37 =	vadd.f32 v41, v63;
	v62 =	vadd.f32 v27, v26;
	v44 =	vmul.f32 v27, v27  }
0x194: {  	v53 =	vperm.xlane v30, v1;
	v56 =	vperm.xlane v32, v2;
	v31 =	vadd.f32 v46, v31  }
0x195: {  	v49 =	vperm.xlane v37, v1;
	v33 =	vadd.f32 v62, v58;
	v35 =	vadd.f32 v44, v60  }
0x196: {  	v23 =	vmul.f32 $1.562500000e-02, v23;
	v61 =	vmul.f32 v29, v29;
	v30 =	vadd.f32 v53, v30  }
0x197: {  	v55 =	vperm.xlane v31, v1;
	v48 =	vperm.xlane v33, v0;
	v34 =	vadd.f32 v35, v34  }
0x198: {  	v32 =	vadd.f32 v32, v56;
	v23 =	vsub.f32 v23, v61;
	v58 =	vperm.xlane v30, v2  }
0x199: {  	v31 =	vadd.f32 v55, v31;
	v33 =	vadd.f32 v33, v48;
	v51 =	vperm.xlane v34, v0  }
0x19a: {  	v62 =	vperm.xlane v32, v3;
	v23 =	vadd.f32 $9.999999740e-06, v23;
	v35 =	vadd.f32 v37, v49  }
0x19b: {  	v30 =	vadd.f32 v58, v30;
	v54 =	vperm.xlane v33, v1;
	v34 =	vadd.f32 v51, v34  }
0x19c: {  	v32 =	vadd.f32 v32, v62;
	v60 =	vperm.xlane v31, v2;
	v57 =	vperm.xlane v35, v2  }
0x19d: {  	v50 =	vshra.s32 v23, $0x1;
	v33 =	vadd.f32 v33, v54;
	v39 =	vperm.xlane v34, v1  }
0x19e: {  	v23 =	vmul.f32 $5.000000000e-01, v23;
	v63 =	vperm.xlane v30, v3;
	v35 =	vadd.f32 v35, v57  }
0x19f: {  	v32 =	vmul.f32 $1.562500000e-02, v32;
	v59 =	vperm.xlane v33, v2;
	v34 =	vadd.f32 v39, v34  }
0x1a0: {  	v40 =	vsub.s32 $0x5F3759DF, v50;
	v31 =	vadd.f32 v60, v31;
	v41 =	vperm.xlane v35, v3  }
0x1a1: {  	v52 =	vmul.f32 v40, v23;
	v33 =	vadd.f32 v33, v59;
	v61 =	vperm.xlane v34, v2  }
0x1a2: {  	v30 =	vadd.f32 v63, v30;
	v45 =	vperm.xlane v31, v3;
	v35 =	vadd.f32 v35, v41  }
0x1a3: {  	v47 =	vmul.f32 v32, v32;
	v42 =	vperm.xlane v33, v3;
	v34 =	vadd.f32 v61, v34  }
0x1a4: {  	v36 =	vmul.f32 v40, v52;
	v31 =	vadd.f32 v45, v31;
	v35 =	vmul.f32 $1.562500000e-02, v35  }
0x1a5: {  	v30 =	vmul.f32 $1.562500000e-02, v30;
	v33 =	vadd.f32 v33, v42;
	v46 =	vperm.xlane v34, v3  }
0x1a6: {  	v36 =	vsub.f32 $1.500000000e+00, v36;
	v31 =	vmul.f32 $1.562500000e-02, v31;
	v48 =	vmul.f32 v35, v35  }
0x1a7: {  	v30 =	vsub.f32 v30, v47;
	v33 =	vmul.f32 $1.562500000e-02, v33;
	v34 =	vadd.f32 v46, v34  }
0x1a8: {  	v36 =	vmul.f32 v40, v36;
	v31 =	vsub.f32 v31, v48  }
0x1a9: {  	v30 =	vadd.f32 $9.999999740e-06, v30;
	v34 =	vmul.f32 $1.562500000e-02, v34;
	v49 =	vmul.f32 v33, v33  }
0x1aa: {  	v50 =	vmul.f32 v36, v23;
	v31 =	vadd.f32 $9.999999740e-06, v31  }
0x1ab: {  	v51 =	vshra.s32 v30, $0x1;
	v30 =	vmul.f32 $5.000000000e-01, v30;
	v34 =	vsub.f32 v34, v49  }
0x1ac: {  	v38 =	vsub.s32 $0x5F3759DF, v51;
	v52 =	vshra.s32 v31, $0x1;
	v31 =	vmul.f32 $5.000000000e-01, v31  }
0x1ad: {  	v37 =	vmul.f32 v50, v36;
	v39 =	vsub.s32 $0x5F3759DF, v52;
	v34 =	vadd.f32 $9.999999740e-06, v34  }
0x1ae: {  	v54 =	vmul.f32 v38, v30;
	v55 =	vmul.f32 v39, v31  }
0x1af: {  	v37 =	vsub.f32 $1.500000000e+00, v37;
	v53 =	vshra.s32 v34, $0x1;
	v34 =	vmul.f32 $5.000000000e-01, v34  }
0x1b0: {  	v41 =	vmul.f32 v38, v54;
	v42 =	vmul.f32 v39, v55;
	v40 =	vsub.s32 $0x5F3759DF, v53  }
0x1b1: {  	v36 =	vmul.f32 v37, v36;
	v56 =	vmul.f32 v40, v34  }
0x1b2: {  	v41 =	vsub.f32 $1.500000000e+00, v41;
	v57 =	vsub.f32 $1.500000000e+00, v42  }
0x1b3: {  	v23 =	vmul.f32 v36, v23;
	v43 =	vmul.f32 v40, v56  }
0x1b4: {  	v38 =	vmul.f32 v38, v41;
	v37 =	vmul.f32 v39, v57  }
0x1b5: {  	v15 =	vsub.f32 v15, v29;
	v23 =	vmul.f32 v23, v36;
	v58 =	vsub.f32 $1.500000000e+00, v43  }
0x1b6: {  	v14 =	vsub.f32 v14, v29;
	v60 =	vmul.f32 v38, v30;
	v61 =	vmul.f32 v37, v31  }
0x1b7: {  	v13 =	vsub.f32 v13, v29;
	v23 =	vsub.f32 $1.500000000e+00, v23;
	v59 =	vmul.f32 v40, v58  }
0x1b8: {  	v12 =	vsub.f32 v12, v29;
	v41 =	vmul.f32 v61, v37;
	v40 =	vmul.f32 v60, v38  }
0x1b9: {  	s29 =	simm.s32 $0x200;
	v17 =	vsub.f32 v17, v32;
	v36 =	vmul.f32 v23, v36;
	v42 =	vmul.f32 v59, v34  }
0x1ba: {  	v29 =	vld [tilespmem:s29+$0x8400];
	v41 =	vsub.f32 $1.500000000e+00, v41;
	v40 =	vsub.f32 $1.500000000e+00, v40  }
0x1bb: {  	v62 =	vld [tilespmem:s29+$0xE980];
	v16 =	vsub.f32 v16, v32;
	v23 =	vmul.f32 v36, v14;
	v42 =	vmul.f32 v42, v59  }
0x1bc: {  	v18 =	vsub.f32 v18, v32;
	v63 =	vld [tilespmem:s29+$0xE990];
	v14 =	vmul.f32 v41, v37;
	v38 =	vmul.f32 v40, v38  }
0x1bd: {  	v45 =	vld [tilespmem:s29+$0x8480];
	v44 =	vsub.f32 v28, v33;
	v42 =	vsub.f32 $1.500000000e+00, v42  }
0x1be: {  	v28 =	vld [tilespmem:s29+$0xE9A0];
	v58 =	vsub.f32 v21, v35;
	v21 =	vmul.f32 v14, v31;
	v30 =	vmul.f32 v38, v30  }
0x1bf: {  	v19 =	vsub.f32 v19, v32;
	v20 =	vsub.f32 v20, v35;
	v57 =	vld [tilespmem:s29+$0x8590];
	v56 =	vmul.f32 v42, v59  }
0x1c0: {  	v22 =	vsub.f32 v22, v35;
	v52 =	vld [tilespmem:s29+$0x85A0];
	v21 =	vmul.f32 v21, v14;
	v30 =	vmul.f32 v30, v38  }
0x1c1: {  	v51 =	vld [tilespmem:s29+$0x8430];
	v48 =	vsub.f32 v26, v33;
	v23 =	vmul.f32 v23, v7;
	v31 =	vmul.f32 v56, v34  }
0x1c2: {  	v60 =	vld [tilespmem:s29+$0xE800];
	v53 =	vsub.f32 $1.500000000e+00, v30;
	v30 =	vmul.f32 v36, v15;
	v15 =	vsub.f32 $1.500000000e+00, v21  }
0x1c3: {  	v54 =	vld [tilespmem:s29+$0x85B0];
	v35 =	vsub.f32 v24, v35;
	v34 =	vmul.f32 v36, v12;
	v24 =	vmul.f32 v31, v56  }
0x1c4: {  	v21 =	vld [tilespmem:s29+$0xE9B0];
	v31 =	vmul.f32 v36, v13;
	v59 =	vmul.f32 v15, v14;
	v14 =	vadd.f32 v63, v57  }
0x1c5: {  	v40 =	vld [tilespmem:s29+$0x8580];
	v15 =	vadd.f32 v28, v52;
	v30 =	vmul.f32 v30, v4;
	v34 =	vmul.f32 v34, v6  }
0x1c6: {  	v61 =	vld [tilespmem:s29+$0x8410];
	v13 =	vsub.f32 $1.500000000e+00, v24;
	v24 =	vmul.f32 v53, v38;
	v12 =	vmul.f32 v59, v20  }
0x1c7: {  	v63 =	vld [tilespmem:s29+$0xE820];
	v28 =	vadd.f32 v60, v29;
	v52 =	vmul.f32 v14, v14;
	v29 =	vmul.f32 v15, v15  }
0x1c8: {  	v55 =	vsub.f32 v25, v33;
	v53 =	vld [tilespmem:s29+$0xE830];
	v49 =	vmul.f32 v13, v56;
	v36 =	vmul.f32 v24, v17  }
0x1c9: {  	v21 =	vadd.f32 v21, v54;
	v26 =	vmul.f32 v24, v16;
	v25 =	vmul.f32 v24, v18;
	v18 =	vld [tilespmem:s29+$0xE810]  }
0x1ca: {  	v24 =	vmul.f32 v24, v19;
	v16 =	vadd.f32 v62, v40;
	v62 =	vld [tilespmem:s29+$0x8420];
	v13 =	vmul.f32 v59, v58  }
0x1cb: {  	v50 =	vsub.f32 v27, v33;
	v17 =	vmul.f32 v59, v22;
	v58 =	vld [tilespmem:s29+$0xE880];
	v56 =	vmul.f32 v21, v21  }
0x1cc: {  	v39 =	vld [tilespmem:s29+$0xE8A0];
	v19 =	vmul.f32 v59, v35;
	v22 =	vadd.f32 v21, v15;
	v20 =	vadd.f32 v14, v16  }
0x1cd: {  	v40 =	vmul.f32 v16, v16;
	v54 =	vadd.f32 v56, v29;
	v56 =	vld [tilespmem:s29+$0xE890];
	v32 =	vadd.f32 v53, v51  }
0x1ce: {  	v53 =	vld [tilespmem:s29+$0x8500];
	v57 =	vadd.f32 v22, v20;
	v20 =	vmul.f32 v49, v44;
	v22 =	vmul.f32 v49, v55  }
0x1cf: {  	v55 =	vmul.f32 v28, v28;
	v44 =	vld [tilespmem:s29+$0x84A0];
	v27 =	vadd.f32 v18, v61;
	v18 =	vadd.f32 v52, v40  }
0x1d0: {  	v40 =	vld [tilespmem:s29+$0x8490];
	v29 =	vadd.f32 v63, v62;
	v33 =	vadd.f32 v58, v45;
	v58 =	vmul.f32 v32, v32  }
0x1d1: {  	v62 =	vld [tilespmem:s29+$0x84B0];
	v60 =	vperm.xlane v57, v0;
	v59 =	vmul.f32 v27, v27;
	v41 =	vadd.f32 v54, v18  }
0x1d2: {  	v47 =	vadd.f32 v27, v28;
	v63 =	vmul.f32 v29, v29;
	v51 =	vadd.f32 v32, v29;
	v54 =	vld [tilespmem:s29+$0xE900]  }
0x1d3: {  	v18 =	vmul.f32 v49, v48;
	v35 =	vadd.f32 v57, v60;
	v57 =	vld [tilespmem:s29+$0xE8B0];
	v42 =	vadd.f32 v59, v55  }
0x1d4: {  	v61 =	vperm.xlane v41, v0;
	v47 =	vadd.f32 v51, v47;
	v46 =	vadd.f32 v58, v63  }
0x1d5: {  	v45 =	vld [tilespmem:s29+$0x8520];
	v38 =	vadd.f32 v39, v44;
	v52 =	vperm.xlane v35, v1;
	v37 =	vadd.f32 v56, v40  }
0x1d6: {  	v48 =	vld [tilespmem:s29+$0x8510];
	v59 =	vmul.f32 v33, v33;
	v41 =	vadd.f32 v61, v41;
	v42 =	vadd.f32 v46, v42  }
0x1d7: {  	v46 =	vld [tilespmem:s29+$0xE920];
	v35 =	vadd.f32 v35, v52;
	v44 =	vadd.f32 v37, v33;
	v61 =	vmul.f32 v37, v37  }
0x1d8: {  	v52 =	vld [tilespmem:s29+$0xE910];
	v39 =	vadd.f32 v54, v53;
	v60 =	vperm.xlane v41, v1;
	v40 =	vadd.f32 v57, v62  }
0x1d9: {  	v62 =	vperm.xlane v47, v0;
	v55 =	vperm.xlane v35, v2;
	v51 =	vadd.f32 v61, v59  }
0x1da: {  	v58 =	vmul.f32 v38, v38;
	v57 =	vld [tilespmem:s29+$0x8530];
	v41 =	vadd.f32 v60, v41;
	v56 =	vadd.f32 v40, v38  }
0x1db: {  	v47 =	vadd.f32 v47, v62;
	v60 =	vld [tilespmem:s29+$0xE930];
	v61 =	vmul.f32 v40, v40;
	v55 =	vadd.f32 v35, v55  }
0x1dc: {  	v35 =	vmul.f32 v49, v50;
	v63 =	vperm.xlane v41, v2;
	v49 =	vadd.f32 v56, v44  }
0x1dd: {  	v12 =	vmul.f32 v12, v4;
	v43 =	vadd.f32 v52, v48;
	v44 =	vadd.f32 v46, v45  }
0x1de: {  	v62 =	vperm.xlane v55, v3;
	v59 =	vadd.f32 v63, v41;
	v63 =	vadd.f32 v61, v58  }
0x1df: {  	v58 =	vmul.f32 v39, v39;
	v45 =	vadd.f32 v43, v39;
	v61 =	vperm.xlane v49, v0  }
0x1e0: {  	v41 =	vadd.f32 v55, v62;
	v46 =	vadd.f32 v60, v57;
	v56 =	vperm.xlane v59, v3  }
0x1e1: {  	v48 =	vadd.f32 v63, v51;
	v51 =	vmul.f32 v44, v44;
	v63 =	vperm.xlane v42, v0  }
0x1e2: {  	v49 =	vadd.f32 v49, v61;
	v41 =	vmul.f32 $1.562500000e-02, v41;
	v50 =	vadd.f32 v56, v59  }
0x1e3: {  	v61 =	vperm.xlane v47, v1;
	v60 =	vadd.f32 v46, v44;
	v62 =	vmul.f32 v46, v46  }
0x1e4: {  	v42 =	vadd.f32 v63, v42;
	v54 =	vmul.f32 v41, v41;
	v50 =	vmul.f32 $1.562500000e-02, v50  }
0x1e5: {  	v59 =	vmul.f32 v43, v43;
	v47 =	vadd.f32 v47, v61;
	v45 =	vadd.f32 v60, v45  }
0x1e6: {  	v36 =	vmul.f32 v36, v4;
	v51 =	vadd.f32 v62, v51;
	v50 =	vsub.f32 v50, v54  }
0x1e7: {  	v60 =	vperm.xlane v48, v0;
	v21 =	vsub.f32 v21, v41;
	v52 =	vadd.f32 v59, v58  }
0x1e8: {  	v53 =	vperm.xlane v47, v2;
	v55 =	vperm.xlane v45, v0;
	v50 =	vadd.f32 $9.999999740e-06, v50  }
0x1e9: {  	v48 =	vadd.f32 v60, v48;
	v51 =	vadd.f32 v51, v52;
	v52 =	vperm.xlane v49, v1  }
0x1ea: {  	v45 =	vadd.f32 v45, v55;
	v62 =	vshra.s32 v50, $0x1;
	v50 =	vmul.f32 $5.000000000e-01, v50  }
0x1eb: {  	v47 =	vadd.f32 v47, v53;
	v63 =	vperm.xlane v51, v0;
	v56 =	vsub.s32 $0x5F3759DF, v62  }
0x1ec: {  	v55 =	vadd.f32 v23, v11;
	v61 =	vperm.xlane v45, v1;
	v60 =	vmul.f32 v56, v50  }
0x1ed: {  	v54 =	vperm.xlane v42, v1;
	v49 =	vadd.f32 v49, v52;
	v51 =	vadd.f32 v63, v51  }
0x1ee: {  	v62 =	vperm.xlane v48, v1;
	v45 =	vadd.f32 v45, v61;
	v63 =	vmul.f32 v56, v60  }
0x1ef: {  	v23 =	vmul.f32 v31, v5;
	v42 =	vadd.f32 v54, v42;
	v61 =	vperm.xlane v49, v2  }
0x1f0: {  	v48 =	vadd.f32 v62, v48;
	v62 =	vperm.xlane v45, v2;
	v52 =	vsub.f32 $1.500000000e+00, v63  }
0x1f1: {  	v54 =	vadd.f32 v30, v8;
	v49 =	vadd.f32 v49, v61;
	v60 =	vperm.xlane v51, v1  }
0x1f2: {  	v45 =	vadd.f32 v45, v62;
	v63 =	vperm.xlane v42, v2;
	v52 =	vmul.f32 v56, v52  }
0x1f3: {  	v61 =	vperm.xlane v47, v3;
	v59 =	vperm.xlane v48, v2;
	v51 =	vadd.f32 v60, v51  }
0x1f4: {  	v58 =	vperm.xlane v45, v3;
	v42 =	vadd.f32 v63, v42;
	v62 =	vmul.f32 v52, v50  }
0x1f5: {  	v47 =	vadd.f32 v47, v61;
	v60 =	vperm.xlane v51, v2;
	v63 =	vperm.xlane v49, v3  }
0x1f6: {  	v53 =	vadd.f32 v23, v9;
	v57 =	vperm.xlane v42, v3;
	v31 =	vmul.f32 v62, v52  }
0x1f7: {  	v47 =	vmul.f32 $1.562500000e-02, v47;
	v51 =	vadd.f32 v60, v51;
	v49 =	vadd.f32 v49, v63  }
0x1f8: {  	v56 =	vmul.f32 v24, v7;
	v30 =	vsub.f32 $1.500000000e+00, v31;
	v31 =	vadd.f32 v57, v42  }
0x1f9: {  	v48 =	vadd.f32 v59, v48;
	v59 =	vmul.f32 v47, v47;
	v60 =	vperm.xlane v51, v3  }
0x1fa: {  	v49 =	vmul.f32 $1.562500000e-02, v49;
	v42 =	vadd.f32 v45, v58;
	v31 =	vmul.f32 $1.562500000e-02, v31  }
0x1fb: {  	v61 =	vadd.f32 v60, v51;
	v23 =	vmul.f32 v30, v52;
	v30 =	vperm.xlane v48, v3  }
0x1fc: {  	v62 =	vmul.f32 v49, v49;
	v51 =	vmul.f32 $1.562500000e-02, v42;
	v31 =	vsub.f32 v31, v59  }
0x1fd: {  	v52 =	vmul.f32 v26, v5;
	v30 =	vadd.f32 v30, v48;
	v26 =	vmul.f32 v23, v50  }
0x1fe: {  	v50 =	vmul.f32 v25, v6;
	v42 =	vmul.f32 v51, v51;
	v25 =	vadd.f32 $9.999999740e-06, v31  }
0x1ff: {  	v16 =	vsub.f32 v16, v41;
	v30 =	vmul.f32 $1.562500000e-02, v30;
	v26 =	vmul.f32 v26, v23  }
0x200: {  	v31 =	vmul.f32 $1.562500000e-02, v61;
	v63 =	vshra.s32 v25, $0x1;
	v48 =	vmul.f32 $5.000000000e-01, v25  }
0x201: {  	v30 =	vsub.f32 v30, v62;
	v26 =	vsub.f32 $1.500000000e+00, v26;
	v57 =	vsub.s32 $0x5F3759DF, v63  }
0x202: {  	v24 =	vsub.f32 v28, v47;
	v28 =	vsub.f32 v31, v42;
	v31 =	vmul.f32 v57, v48  }
0x203: {  	v25 =	vsub.f32 v27, v47;
	v27 =	vadd.f32 $9.999999740e-06, v30;
	v58 =	vmul.f32 v26, v23  }
0x204: {  	v26 =	vsub.f32 v29, v47;
	v30 =	vadd.f32 $9.999999740e-06, v28;
	v23 =	vmul.f32 v57, v31  }
0x205: {  	v29 =	vshra.s32 v27, $0x1;
	v42 =	vmul.f32 $5.000000000e-01, v27;
	v59 =	vmul.f32 v58, v21  }
0x206: {  	v45 =	vmul.f32 $5.000000000e-01, v30;
	v31 =	vsub.f32 v37, v49;
	v27 =	vsub.f32 v38, v49  }
0x207: {  	v60 =	vsub.s32 $0x5F3759DF, v29;
	v21 =	vsub.f32 $1.500000000e+00, v23;
	v23 =	vshra.s32 v30, $0x1  }
0x208: {  	v29 =	vsub.f32 v33, v49;
	v30 =	vsub.s32 $0x5F3759DF, v23;
	v23 =	vmul.f32 v60, v42  }
0x209: {  	v57 =	vmul.f32 v57, v21;
	v21 =	vsub.f32 v40, v49;
	v49 =	vmul.f32 v30, v45  }
0x20a: {  	v28 =	vsub.f32 v32, v47;
	v47 =	vmul.f32 v22, v5;
	v37 =	vmul.f32 v20, v4  }
0x20b: {  	v14 =	vsub.f32 v14, v41;
	v62 =	vmul.f32 v60, v23;
	v32 =	vmul.f32 v30, v49  }
0x20c: {  	v15 =	vsub.f32 v15, v41;
	v63 =	vmul.f32 v58, v16;
	v61 =	vmul.f32 v59, v7  }
0x20d: {  	v23 =	vmul.f32 v17, v6;
	v17 =	vsub.f32 $1.500000000e+00, v62;
	v20 =	vsub.f32 $1.500000000e+00, v32  }
0x20e: {  	v38 =	vadd.f32 v34, v10;
	v40 =	vmul.f32 v19, v7;
	v16 =	vmul.f32 v57, v48  }
0x20f: {  	v34 =	vsub.f32 v43, v51;
	v22 =	vmul.f32 v60, v17;
	v59 =	vmul.f32 v30, v20  }
0x210: {  	v33 =	vsub.f32 v39, v51;
	v62 =	vmul.f32 v58, v14;
	v14 =	vmul.f32 v63, v4  }
0x211: {  	[tilespmem:s28+$0x14DA0] =	vst v38;
	v38 =	vadd.f32 v50, v10;
	v17 =	vmul.f32 v22, v42;
	v20 =	vmul.f32 v59, v45  }
0x212: {  	v19 =	vadd.f32 v61, v11;
	v60 =	vmul.f32 v16, v57;
	v16 =	vmul.f32 v18, v6  }
0x213: {  	[tilespmem:s28+$0x14DB0] =	vst v55;
	v63 =	vadd.f32 v52, v9;
	v17 =	vmul.f32 v17, v22;
	v18 =	vmul.f32 v20, v59  }
0x214: {  	v13 =	vmul.f32 v13, v5;
	[tilespmem:s28+$0x14D80] =	vst v54;
	v61 =	vsub.f32 $1.500000000e+00, v60;
	v20 =	vadd.f32 v36, v8  }
0x215: {  	[tilespmem:s28+$0x14D90] =	vst v53;
	v36 =	vmul.f32 v58, v15;
	v15 =	vsub.f32 $1.500000000e+00, v17;
	v18 =	vsub.f32 $1.500000000e+00, v18  }
0x216: {  	[tilespmem:s29+$0x14DB0] =	vst v19;
	v32 =	vsub.f32 v44, v51;
	v17 =	vmul.f32 v35, v7;
	v35 =	vmul.f32 v61, v57  }
0x217: {  	v30 =	vsub.f32 v46, v51;
	[tilespmem:s28+$0x14C00] =	vst v20;
	v20 =	vmul.f32 v15, v22;
	v18 =	vmul.f32 v18, v59  }
0x218: {  	s30 =	simm.s32 $0x1000;
	s26 =	sadd.s32 $0x1, s26;
	s0 =	simm.s32 $0x4;
	[tilespmem:s28+$0x14C10] =	vst v63;
	v19 =	vmul.f32 v35, v48;
	v15 =	vmul.f32 v62, v5;
	v22 =	vadd.f32 v56, v11  }
.LBB2_5:
0x219: {  	s4 =	sshra.s32 s30, $0x2;
	v39 =	vmul.f32 v20, v42;
	v41 =	vmul.f32 v18, v45;
	[tilespmem:s28+$0x14C20] =	vst v38;
	v12 =	vadd.f32 v12, v8  }
0x21a: {  	v36 =	vmul.f32 v36, v6;
	v13 =	vadd.f32 v13, v9;
	v38 =	vld [tilespmem:s4+$0x8580];
	v19 =	vmul.f32 v19, v35;
	[tilespmem:s28+$0x14C30] =	vst v22  }
0x21b: {  	v22 =	vld [tilespmem:s4+$0xE980];
	v39 =	vmul.f32 v39, v20;
	v41 =	vmul.f32 v41, v18;
	[tilespmem:s28+$0x14C80] =	vst v12;
	v12 =	vadd.f32 v23, v10  }
0x21c: {  	v42 =	vld [tilespmem:s4+$0x8590];
	v19 =	vsub.f32 $1.500000000e+00, v19;
	[tilespmem:s28+$0x14C90] =	vst v13;
	v13 =	vadd.f32 v40, v11  }
0x21d: {  	v40 =	vld [tilespmem:s4+$0xE990];
	v23 =	vsub.f32 $1.500000000e+00, v39;
	v39 =	vsub.f32 $1.500000000e+00, v41;
	[tilespmem:s28+$0x14CA0] =	vst v12  }
0x21e: {  	v12 =	vld [tilespmem:s4+$0x85A0];
	v19 =	vmul.f32 v19, v35;
	[tilespmem:s28+$0x14CB0] =	vst v13;
	v13 =	vadd.f32 v37, v8;
	v35 =	vadd.f32 v47, v9  }
0x21f: {  	v16 =	vadd.f32 v16, v10;
	v37 =	vld [tilespmem:s4+$0xE9A0];
	v20 =	vmul.f32 v23, v20;
	v39 =	vmul.f32 v39, v18  }
0x220: {  	v41 =	vld [tilespmem:s4+$0x85B0];
	v24 =	vmul.f32 v19, v24;
	v25 =	vmul.f32 v19, v25;
	[tilespmem:s28+$0x14D00] =	vst v13;
	v13 =	vadd.f32 v17, v11  }
0x221: {  	s0 =	sadd.s32 $0x4, s0;
	v14 =	vadd.f32 v14, v8;
	v26 =	vmul.f32 v19, v26;
	v44 =	vmul.f32 v19, v28;
	v43 =	vld [tilespmem:s4+$0xE9B0];
	[tilespmem:s28+$0x14D10] =	vst v35  }
0x222: {  	p0 =	slt.u32 s0, $0xC4;
	v15 =	vadd.f32 v15, v9;
	v35 =	vmul.f32 v20, v29;
	v45 =	vmul.f32 v20, v31;
	v19 =	vld [tilespmem:s4+$0x8400];
	[tilespmem:s28+$0x14D20] =	vst v16  }
0x223: {  	v23 =	vmul.f32 v20, v27;
	v27 =	vmul.f32 v20, v21;
	v20 =	vadd.f32 v36, v10;
	v31 =	vld [tilespmem:s4+$0xE800];
	[tilespmem:s28+$0x14D30] =	vst v13;
	s28 =	smov.u32 s29;
	s29 =	smov.u32 s4  }
0x224: {  	v28 =	vmul.f32 v39, v33;
	v21 =	vmul.f32 v39, v34;
	v13 =	vld [tilespmem:s29+$0x8410];
	[tilespmem:s28+$0x14D80] =	vst v14  }
0x225: {  	v46 =	vadd.f32 v22, v38;
	v17 =	vadd.f32 v40, v42;
	v16 =	vmul.f32 v39, v32;
	v33 =	vld [tilespmem:s29+$0xE810];
	[tilespmem:s28+$0x14D90] =	vst v15  }
0x226: {  	v18 =	vadd.f32 v37, v12;
	v14 =	vmul.f32 v39, v30;
	v22 =	vld [tilespmem:s29+$0x8420];
	v29 =	vadd.f32 v43, v41;
	[tilespmem:s28+$0x14DA0] =	vst v20  }
0x227: {  	v30 =	vadd.f32 v17, v46;
	v15 =	vmul.f32 v25, v5;
	v20 =	vmul.f32 v24, v4;
	v12 =	vld [tilespmem:s29+$0xE820]  }
0x228: {  	v36 =	vmul.f32 v46, v46;
	v37 =	vmul.f32 v17, v17;
	v32 =	vld [tilespmem:s29+$0x8430];
	v34 =	vadd.f32 v29, v18  }
0x229: {  	v38 =	vmul.f32 v18, v18;
	v24 =	vadd.f32 v31, v19;
	v39 =	vmul.f32 v29, v29;
	v31 =	vld [tilespmem:s29+$0xE830]  }
0x22a: {  	v19 =	vmul.f32 v26, v6;
	v25 =	vadd.f32 v33, v13;
	v13 =	vld [tilespmem:s29+$0x8480];
	v33 =	vadd.f32 v34, v30  }
0x22b: {  	v34 =	vmul.f32 v24, v24;
	v30 =	vadd.f32 v37, v36;
	v36 =	vadd.f32 v39, v38;
	v40 =	vld [tilespmem:s29+$0xE880]  }
0x22c: {  	v26 =	vadd.f32 v12, v22;
	v37 =	vadd.f32 v25, v24;
	v12 =	vmul.f32 v25, v25;
	v38 =	vld [tilespmem:s29+$0x8490]  }
0x22d: {  	v36 =	vadd.f32 v36, v30;
	v41 =	vperm.xlane v33, v0;
	v22 =	vmul.f32 v44, v7;
	v39 =	vld [tilespmem:s29+$0xE890]  }
0x22e: {  	v30 =	vadd.f32 v31, v32;
	v34 =	vadd.f32 v12, v34;
	v42 =	vmul.f32 v26, v26;
	v43 =	vld [tilespmem:s29+$0x84A0]  }
0x22f: {  	v33 =	vadd.f32 v33, v41;
	v32 =	vperm.xlane v36, v0;
	v12 =	vmul.f32 v35, v4;
	v44 =	vld [tilespmem:s29+$0xE8A0]  }
0x230: {  	v35 =	vadd.f32 v30, v26;
	v41 =	vmul.f32 v30, v30;
	v31 =	vadd.f32 v40, v13;
	v40 =	vld [tilespmem:s29+$0x84B0]  }
0x231: {  	v48 =	vperm.xlane v33, v1;
	v36 =	vadd.f32 v32, v36;
	v13 =	vmul.f32 v45, v5;
	v47 =	vld [tilespmem:s29+$0xE8B0]  }
0x232: {  	v37 =	vadd.f32 v35, v37;
	v32 =	vadd.f32 v39, v38;
	v35 =	vmul.f32 v31, v31;
	v38 =	vld [tilespmem:s29+$0x8500]  }
0x233: {  	v39 =	vadd.f32 v41, v42;
	v42 =	vadd.f32 v33, v48;
	v45 =	vperm.xlane v36, v1;
	v41 =	vld [tilespmem:s29+$0xE900]  }
0x234: {  	v33 =	vadd.f32 v44, v43;
	v43 =	vadd.f32 v32, v31;
	v44 =	vmul.f32 v32, v32;
	v48 =	vld [tilespmem:s29+$0x8510]  }
0x235: {  	v49 =	vadd.f32 v39, v34;
	v50 =	vperm.xlane v42, v2;
	v36 =	vadd.f32 v45, v36;
	v39 =	vld [tilespmem:s29+$0xE910]  }
0x236: {  	v34 =	vadd.f32 v47, v40;
	v40 =	vadd.f32 v44, v35;
	v44 =	vmul.f32 v33, v33;
	v45 =	vld [tilespmem:s29+$0x8520]  }
0x237: {  	v47 =	vperm.xlane v37, v0;
	v42 =	vadd.f32 v42, v50;
	v50 =	vperm.xlane v36, v2;
	v51 =	vld [tilespmem:s29+$0xE920]  }
0x238: {  	v52 =	vadd.f32 v34, v33;
	v53 =	vmul.f32 v34, v34;
	v35 =	vadd.f32 v41, v38;
	v41 =	vld [tilespmem:s29+$0x8530]  }
0x239: {  	v37 =	vadd.f32 v37, v47;
	v38 =	vperm.xlane v42, v3;
	v50 =	vadd.f32 v50, v36;
	v47 =	vld [tilespmem:s29+$0xE930]  }
0x23a: {  	v52 =	vadd.f32 v52, v43;
	v36 =	vadd.f32 v39, v48;
	v43 =	vmul.f32 v35, v35  }
0x23b: {  	v44 =	vadd.f32 v53, v44;
	v38 =	vadd.f32 v42, v38;
	v42 =	vperm.xlane v50, v3  }
0x23c: {  	v39 =	vadd.f32 v51, v45;
	v45 =	vadd.f32 v36, v35;
	v48 =	vmul.f32 v36, v36  }
0x23d: {  	v40 =	vadd.f32 v44, v40;
	v38 =	vmul.f32 $1.562500000e-02, v38;
	v42 =	vadd.f32 v42, v50  }
0x23e: {  	v41 =	vadd.f32 v47, v41;
	v44 =	vadd.f32 v48, v43;
	v47 =	vmul.f32 v39, v39  }
0x23f: {  	v42 =	vmul.f32 $1.562500000e-02, v42;
	v48 =	vmul.f32 v38, v38;
	v43 =	vsub.f32 v46, v38  }
0x240: {  	v46 =	vperm.xlane v52, v0;
	v50 =	vadd.f32 v41, v39;
	v51 =	vmul.f32 v41, v41  }
0x241: {  	v53 =	vperm.xlane v49, v0;
	v54 =	vperm.xlane v40, v0;
	v42 =	vsub.f32 v42, v48  }
0x242: {  	v48 =	vperm.xlane v37, v1;
	v45 =	vadd.f32 v50, v45;
	v47 =	vadd.f32 v51, v47  }
0x243: {  	v23 =	vmul.f32 v23, v6;
	v46 =	vadd.f32 v52, v46;
	v42 =	vadd.f32 $9.999999740e-06, v42  }
0x244: {  	v49 =	vadd.f32 v53, v49;
	v44 =	vadd.f32 v47, v44;
	v47 =	vperm.xlane v45, v0  }
0x245: {  	v50 =	vperm.xlane v46, v1;
	v51 =	vshra.s32 v42, $0x1;
	v42 =	vmul.f32 $5.000000000e-01, v42  }
0x246: {  	v51 =	vsub.s32 $0x5F3759DF, v51;
	v45 =	vadd.f32 v45, v47;
	v47 =	vperm.xlane v44, v0  }
0x247: {  	v40 =	vadd.f32 v54, v40;
	v37 =	vadd.f32 v37, v48;
	v48 =	vmul.f32 v51, v42  }
0x248: {  	v52 =	vperm.xlane v49, v1;
	v53 =	vperm.xlane v45, v1;
	v44 =	vadd.f32 v47, v44  }
0x249: {  	v46 =	vadd.f32 v46, v50;
	v47 =	vperm.xlane v40, v1;
	v48 =	vmul.f32 v51, v48  }
0x24a: {  	v50 =	vperm.xlane v37, v2;
	v45 =	vadd.f32 v45, v53;
	v53 =	vperm.xlane v44, v1  }
0x24b: {  	v49 =	vadd.f32 v52, v49;
	v52 =	vperm.xlane v46, v2;
	v48 =	vsub.f32 $1.500000000e+00, v48  }
0x24c: {  	v40 =	vadd.f32 v47, v40;
	v47 =	vperm.xlane v45, v2;
	v44 =	vadd.f32 v53, v44  }
0x24d: {  	v37 =	vadd.f32 v37, v50;
	v50 =	vperm.xlane v49, v2;
	v48 =	vmul.f32 v51, v48  }
0x24e: {  	v46 =	vadd.f32 v46, v52;
	v51 =	vperm.xlane v40, v2;
	v45 =	vadd.f32 v45, v47  }
0x24f: {  	v47 =	vadd.f32 v50, v49;
	v49 =	vperm.xlane v44, v2;
	v50 =	vmul.f32 v48, v42  }
0x250: {  	v52 =	vperm.xlane v37, v3;
	v53 =	vperm.xlane v46, v3;
	v40 =	vadd.f32 v51, v40  }
0x251: {  	v51 =	vperm.xlane v45, v3;
	v44 =	vadd.f32 v49, v44;
	v49 =	vmul.f32 v50, v48  }
0x252: {  	v37 =	vadd.f32 v37, v52;
	v46 =	vadd.f32 v46, v53;
	v50 =	vperm.xlane v47, v3  }
0x253: {  	v52 =	vperm.xlane v40, v3;
	v45 =	vadd.f32 v45, v51;
	v49 =	vsub.f32 $1.500000000e+00, v49  }
0x254: {  	v51 =	vmul.f32 $1.562500000e-02, v37;
	v37 =	vadd.f32 v50, v47;
	v47 =	vperm.xlane v44, v3  }
0x255: {  	v46 =	vmul.f32 $1.562500000e-02, v46;
	v40 =	vadd.f32 v52, v40;
	v48 =	vmul.f32 v49, v48  }
0x256: {  	v37 =	vmul.f32 $1.562500000e-02, v37;
	v49 =	vmul.f32 $1.562500000e-02, v45;
	v44 =	vadd.f32 v47, v44  }
0x257: {  	v45 =	vmul.f32 v51, v51;
	v24 =	vsub.f32 v24, v51;
	v42 =	vmul.f32 v48, v42  }
0x258: {  	v25 =	vsub.f32 v25, v51;
	v40 =	vmul.f32 $1.562500000e-02, v40;
	v47 =	vmul.f32 v46, v46  }
0x259: {  	v37 =	vsub.f32 v37, v45;
	v44 =	vmul.f32 $1.562500000e-02, v44;
	v42 =	vmul.f32 v42, v48  }
0x25a: {  	v26 =	vsub.f32 v26, v51;
	v45 =	vsub.f32 v40, v47;
	v47 =	vmul.f32 v49, v49  }
0x25b: {  	v40 =	vmul.f32 v27, v7;
	v50 =	vadd.f32 $9.999999740e-06, v37;
	v42 =	vsub.f32 $1.500000000e+00, v42  }
0x25c: {  	v27 =	vadd.f32 $9.999999740e-06, v45;
	v44 =	vsub.f32 v44, v47;
	v37 =	vmul.f32 v28, v4  }
0x25d: {  	v29 =	vsub.f32 v29, v38;
	v28 =	vshra.s32 v50, $0x1;
	v48 =	vmul.f32 v42, v48  }
0x25e: {  	v50 =	vmul.f32 $5.000000000e-01, v50;
	v45 =	vshra.s32 v27, $0x1;
	v44 =	vadd.f32 $9.999999740e-06, v44  }
0x25f: {  	v52 =	vsub.s32 $0x5F3759DF, v28;
	v42 =	vmul.f32 $5.000000000e-01, v27;
	v27 =	vmul.f32 v48, v29  }
0x260: {  	v53 =	vsub.s32 $0x5F3759DF, v45;
	v28 =	vshra.s32 v44, $0x1;
	v45 =	vmul.f32 $5.000000000e-01, v44  }
0x261: {  	v44 =	vsub.s32 $0x5F3759DF, v28;
	v29 =	vmul.f32 v52, v50;
	v27 =	vmul.f32 v27, v7  }
0x262: {  	v28 =	vsub.f32 v30, v51;
	v30 =	vmul.f32 v53, v42;
	v47 =	vmul.f32 v44, v45  }
0x263: {  	v51 =	vmul.f32 v52, v29;
	v29 =	vsub.f32 v31, v46;
	v54 =	vadd.f32 v27, v11  }
0x264: {  	v30 =	vmul.f32 v53, v30;
	v31 =	vsub.f32 v32, v46;
	v32 =	vmul.f32 v44, v47  }
0x265: {  	v43 =	vmul.f32 v48, v43;
	v51 =	vsub.f32 $1.500000000e+00, v51;
	v27 =	vsub.f32 v33, v46;
	[tilespmem:s29+$0x14DB0] =	vst v54  }
0x266: {  	v47 =	vmul.f32 v21, v5;
	v30 =	vsub.f32 $1.500000000e+00, v30;
	v32 =	vsub.f32 $1.500000000e+00, v32  }
0x267: {  	v21 =	vsub.f32 v34, v46;
	v33 =	vsub.f32 v35, v49;
	v51 =	vmul.f32 v52, v51  }
0x268: {  	v34 =	vsub.f32 v36, v49;
	v46 =	vmul.f32 v53, v30;
	v44 =	vmul.f32 v44, v32  }
0x269: {  	v32 =	vsub.f32 v39, v49;
	v30 =	vsub.f32 v41, v49;
	v35 =	vmul.f32 v51, v50  }
0x26a: {  	v17 =	vsub.f32 v17, v38;
	v36 =	vmul.f32 v46, v42;
	v39 =	vmul.f32 v44, v45  }
0x26b: {  	v16 =	vmul.f32 v16, v6;
	v18 =	vsub.f32 v18, v38;
	v35 =	vmul.f32 v35, v51  }
0x26c: {  	v20 =	vadd.f32 v20, v8;
	v38 =	vmul.f32 v36, v46;
	v39 =	vmul.f32 v39, v44  }
.Ltmp1:
0x26d: {  	v41 =	vmul.f32 v48, v17;
	v36 =	vmul.f32 v48, v18;
	v35 =	vsub.f32 $1.500000000e+00, v35;
	(pc) =	sbr.rel @p0 .LBB2_5-.Ltmp1, $4  }
0x26e: {  	v17 =	vmul.f32 v14, v7;
	v18 =	vsub.f32 $1.500000000e+00, v38;
	v38 =	vsub.f32 $1.500000000e+00, v39;
	[tilespmem:s28+$0x14C00] =	vst v20  }
0x26f: {  	v14 =	vmul.f32 v43, v4;
	v39 =	vadd.f32 v15, v9;
	v35 =	vmul.f32 v35, v51  }
0x270: {  	v20 =	vmul.f32 v18, v46;
	v18 =	vmul.f32 v38, v44;
	v38 =	vadd.f32 v19, v10  }
0x271: {  	s30 =	sadd.s32 $0x800, s30;
	v22 =	vadd.f32 v22, v11;
	v15 =	vmul.f32 v41, v5;
	v19 =	vmul.f32 v35, v50;
	[tilespmem:s28+$0x14C10] =	vst v39  }
0x272: {  	[tilespmem:s28+$0x14C20] =	vst v38;
	v12 =	vadd.f32 v12, v8  }
0x273: {  	v58 =	vmul.f32 v20, v42;
	v13 =	vadd.f32 v13, v9;
	v19 =	vmul.f32 v19, v35;
	[tilespmem:s28+$0x14C30] =	vst v22  }
0x274: {  	v59 =	vmul.f32 v18, v45;
	v60 =	vadd.f32 v23, v10;
	[tilespmem:s28+$0x14C80] =	vst v12  }
0x275: {  	v62 =	vadd.f32 v40, v11;
	v61 =	vmul.f32 v58, v20;
	[tilespmem:s28+$0x14C90] =	vst v13;
	v19 =	vsub.f32 $1.500000000e+00, v19  }
0x276: {  	v63 =	vadd.f32 v37, v8;
	v22 =	vmul.f32 v59, v18;
	[tilespmem:s28+$0x14CA0] =	vst v60  }
0x277: {  	v37 =	vadd.f32 v47, v9;
	[tilespmem:s28+$0x14CB0] =	vst v62;
	v23 =	vsub.f32 $1.500000000e+00, v61;
	v19 =	vmul.f32 v19, v35  }
0x278: {  	v38 =	vmul.f32 v36, v6;
	v16 =	vadd.f32 v16, v10;
	[tilespmem:s28+$0x14D00] =	vst v63;
	v22 =	vsub.f32 $1.500000000e+00, v22  }
0x279: {  	v17 =	vadd.f32 v17, v11;
	[tilespmem:s28+$0x14D10] =	vst v37;
	v39 =	vmul.f32 v23, v20;
	v40 =	vmul.f32 v19, v24  }
0x27a: {  	v14 =	vadd.f32 v14, v8;
	[tilespmem:s28+$0x14D20] =	vst v16;
	v41 =	vmul.f32 v22, v18;
	v42 =	vmul.f32 v19, v25  }
0x27b: {  	v15 =	vadd.f32 v15, v9;
	[tilespmem:s28+$0x14D30] =	vst v17;
	v43 =	vmul.f32 v19, v26;
	v44 =	vmul.f32 v40, v4  }
0x27c: {  	v45 =	vadd.f32 v38, v10;
	[tilespmem:s29+$0x14D80] =	vst v14;
	v19 =	vmul.f32 v19, v28;
	v46 =	vmul.f32 v42, v5  }
0x27d: {  	[tilespmem:s29+$0x14D90] =	vst v15;
	v47 =	vmul.f32 v39, v29;
	v48 =	vmul.f32 v43, v6;
	v49 =	vadd.f32 v44, v8  }
0x27e: {  	[tilespmem:s29+$0x14DA0] =	vst v45;
	v50 =	vmul.f32 v39, v31;
	v19 =	vmul.f32 v19, v7;
	v14 =	vadd.f32 v46, v9  }
0x27f: {  	v51 =	vmul.f32 v39, v27;
	v18 =	vmul.f32 v47, v4;
	v15 =	vadd.f32 v48, v10;
	[tilespmem:s29+$0x14C00] =	vst v49  }
0x280: {  	v12 =	vmul.f32 v39, v21;
	v52 =	vmul.f32 v50, v5;
	v53 =	vadd.f32 v19, v11;
	[tilespmem:s29+$0x14C10] =	vst v14  }
0x281: {  	v54 =	vmul.f32 v41, v33;
	v55 =	vmul.f32 v51, v6;
	v56 =	vadd.f32 v18, v8;
	[tilespmem:s29+$0x14C20] =	vst v15  }
0x282: {  	v13 =	vmul.f32 v41, v30;
	v12 =	vmul.f32 v12, v7;
	v58 =	vadd.f32 v52, v9;
	[tilespmem:s29+$0x14C30] =	vst v53  }
0x283: {  	v59 =	vmul.f32 v41, v32;
	v17 =	vmul.f32 v54, v4;
	v60 =	vadd.f32 v55, v10;
	[tilespmem:s29+$0x14C80] =	vst v56  }
0x284: {  	v57 =	vmul.f32 v41, v34;
	v13 =	vmul.f32 v13, v7;
	v12 =	vadd.f32 v12, v11;
	[tilespmem:s29+$0x14C90] =	vst v58  }
0x285: {  	v61 =	vmul.f32 v59, v6;
	v62 =	vadd.f32 v17, v8;
	[tilespmem:s29+$0x14CA0] =	vst v60  }
0x286: {  	p0 =	sne.s32 s26, $0x10;
	v18 =	vmul.f32 v57, v5;
	v13 =	vadd.f32 v13, v11;
	[tilespmem:s29+$0x14CB0] =	vst v12  }
.Ltmp2:
0x287: {  	s0 =	sadd.s32 s6, s25;
	v14 =	vadd.f32 v61, v10;
	[tilespmem:s29+$0x14D00] =	vst v62;
	(pc) =	sbr.rel @p0 .LBB2_2-.Ltmp2, $4  }
0x288: {  	s0 =	smul.u32 $0xC80, s0;
	v63 =	vadd.f32 v18, v9;
	[tilespmem:s29+$0x14D30] =	vst v13  }
0x289: {  	[tilespmem:s29+$0x14D20] =	vst v14  }
0x28a: {  	s0 =	sadd.s32 s8, s0;
	[tilespmem:s29+$0x14D10] =	vst v63  }
0x28b: {  	[hbm4b:s0+s3] =	stream.linear.scatter [tilespmem:s22], [sflag:$0x2], $0x6400, $0x38;
	[tilespmem:$0x1B100] =	vst v63  }
0x28c: {  	s24 =	sadd.s32 $0x1, s24  }
0x28d: {  	p0 =	sne.s32 s24, s10  }
.Ltmp3:
0x28e: {  	_ = 	snop;
	(pc) =	sbr.rel @p0 .LBB2_1-.Ltmp3, $4  }
0x28f: {  	_ = 	snop  }
0x290: {  	_ =	swait.ge [sflag:s23], $0x6400  }
0x291: {  	[sflag:s23] =	ssyncset.done $0x0  }
0x292: {  	[sflag:s23] =	ssyncadd.s32 $0xFFFF9C00  }
0x293: {  	_ =	sfence.sel $0x180000  }
0x294: {  	[bflag:$0x0] =	sbarrier.arrive $0xFFFF  }
0x295: {  	_ =	strace $0x90000047  }
0x296: {  	s0 =	stileid.u32;
	[bflag:$0x2] =	sbarrier.arrive $0xFFFF  }
0x297: {  	p0 =	sne.s32 s0, $0x0;
	s0 =	rddreg [dreg:$0x4]  }
0x298: {  	s0 =	sadd.s32 @!p0 $0x100000, s0  }
0x299: {  	[sflag:s0] =	ssyncadd.tile.s32 @!p0 $0x1;
	_ =	shalt  }
.Lfunc_end2:
_tile_overlayer_lowered:
.L_overlay_start_2:
0x29a: {  	(tag) =	ssettag $0x2  }
0x29b: {  	s0 =	rddreg [dreg:$0x0];
	s2 =	stileid.u32  }
0x29c: {  	s1 =	rddreg [dreg:$0x1];
	p0 =	sne.s32 s2, $0x0  }
0x29d: {  	s3 =	rddreg [dreg:$0x2];
	[bflag:$0x3] =	sbarrier.arrive $0xFFFF;
	s2 =	simm.s32 @!p0 $0x1C03  }
0x29e: {  	[timem:s3], [sflag:s2] =	dma.local @!p0 [hbm:s0], s1  }
0x29f: {  	s0 =	simm.s32 @!p0 $0x3  }
0x2a0: {  	_ =	swait.ge @!p0 [sflag:s0], s1  }
0x2a1: {  	s1 =	ssub.s32 @!p0 $0x0, s1;
	[sflag:s0] =	ssyncset.done @!p0 $0x0  }
0x2a2: {  	[sflag:s0] =	ssyncadd.s32 @!p0 s1  }
0x2a3: {  	[bflag:$0x3] =	sbarrier.arrive $0xFFFF  }
0x2a4: {  	_ =	shalt  }

</sc_bundles>
